<compile_context>
chip_gen: v7x
topology: tpu7x:2x2x1
jax: 0.10.2.dev20260603
libtpu: 0.0.44.dev20260713+nightly
codegen_flags: <defaults>
</compile_context>

<pallas_src>
import functools

import jax
import jax.numpy as jnp
from jax import lax
from jax.experimental import pallas as pl
from jax.experimental.pallas import tpu as pltpu
from jax.experimental.pallas import tpu_sc as plsc

E = 64
D = 1024
FFN = 512
SFFN = 1024
S = 2048
P = 2 * S
TILE = 96
G_MAX = 107
X_ROWS = G_MAX * TILE
BLK = 256

NC, NS = 2, 16
NW = NC * NS
CH = P // NW
HALF = CH // 2


def _router_body(hs_ref, gw_ref, logits_ref, wcol_ref, pos_ref, texp_ref,
                 xi_ref, oh_ref):
    hs = hs_ref[...]
    gw = gw_ref[...]
    logits = lax.dot_general(hs, gw, (((1,), (1,)), ((), ())),
                             preferred_element_type=jnp.float32)
    logits_ref[...] = logits

    m = jnp.max(logits, axis=1, keepdims=True)
    ex = jnp.exp(logits - m)
    probs = ex / jnp.sum(ex, axis=1, keepdims=True)

    lane = lax.broadcasted_iota(jnp.int32, (S, E), 1).astype(jnp.float32)
    m1 = jnp.max(probs, axis=1, keepdims=True)
    i1 = jnp.min(jnp.where(probs == m1, lane, float(E)), axis=1, keepdims=True)
    probs2 = jnp.where(lane == i1, -1.0, probs)
    m2 = jnp.max(probs2, axis=1, keepdims=True)
    i2 = jnp.min(jnp.where(probs2 == m2, lane, float(E)), axis=1, keepdims=True)
    wcol_ref[0] = m1
    wcol_ref[1] = m2

    W = 128
    ep = jnp.concatenate([i1, i2], axis=0)
    erow = lax.broadcasted_iota(jnp.int32, (P, W), 1).astype(jnp.float32)
    oh_ref[...] = (erow == ep).astype(jnp.float32)
    oh = oh_ref[...]

    counts = jnp.sum(oh, axis=0, keepdims=True)
    nt = jnp.floor((counts + float(TILE - 1)) / float(TILE))
    rw = lax.broadcasted_iota(jnp.int32, (W, W), 0).astype(jnp.float32)
    cw = lax.broadcasted_iota(jnp.int32, (W, W), 1).astype(jnp.float32)
    ut = (rw <= cw).astype(jnp.float32)
    end = lax.dot_general(nt, ut, (((1,), (0,)), ((), ())),
                          preferred_element_type=jnp.float32)
    row_off = (end - nt) * float(TILE)

    r = lax.broadcasted_iota(jnp.int32, (BLK, BLK), 0).astype(jnp.float32)
    c = lax.broadcasted_iota(jnp.int32, (BLK, BLK), 1).astype(jnp.float32)
    tril = (c < r).astype(jnp.float32)
    prefix = jnp.zeros((1, W), jnp.float32)
    for i in range(P // BLK):
        blk = oh_ref[i * BLK:(i + 1) * BLK]
        intra = lax.dot_general(tril, blk, (((1,), (0,)), ((), ())),
                                preferred_element_type=jnp.float32)
        posblk = jnp.sum((intra + prefix + row_off) * blk, axis=1,
                         keepdims=True)
        pos_ref[i * BLK:(i + 1) * BLK] = posblk.astype(jnp.int32)
        prefix = prefix + jnp.sum(blk, axis=0, keepdims=True)

    total = jnp.max(end[:, :E], axis=1, keepdims=True)
    giota = lax.broadcasted_iota(jnp.int32, (G_MAX, W), 0).astype(jnp.float32)
    gclamp = jnp.minimum(giota, jnp.broadcast_to(total, (G_MAX, W)) - 1.0)
    ee = jnp.broadcast_to(end[:, :E], (G_MAX, E))
    te = jnp.sum((jnp.concatenate([ee, jnp.full((G_MAX, W - E), 1e9, jnp.float32)],
                                  axis=1) <= gclamp).astype(jnp.float32),
                 axis=1, keepdims=True)
    texp_ref[...] = jnp.minimum(te, float(E - 1)).astype(jnp.int32)
    g1 = giota[:, :1]
    xi_ref[...] = jnp.where(g1 < jnp.broadcast_to(total, (G_MAX, 1)),
                            g1, float(G_MAX)).astype(jnp.int32)


def _router(hs, gate_w):
    return pl.pallas_call(
        _router_body,
        out_shape=(
            jax.ShapeDtypeStruct((S, E), jnp.float32),
            jax.ShapeDtypeStruct((2, S, 1), jnp.float32),
            jax.ShapeDtypeStruct((P, 1), jnp.int32),
            jax.ShapeDtypeStruct((G_MAX, 1), jnp.int32),
            jax.ShapeDtypeStruct((G_MAX, 1), jnp.int32),
        ),
        scratch_shapes=[pltpu.VMEM((P, 128), jnp.float32)],
    )(hs, gate_w)


@functools.lru_cache(maxsize=None)
def _sc_kernels():
    mesh = plsc.VectorSubcoreMesh(core_axis_name="c", subcore_axis_name="s",
                                  num_cores=NC, num_subcores=NS)
    scratch = [
        pltpu.VMEM((HALF,), jnp.int32),
        pltpu.VMEM((HALF, D), jnp.float32),
        pltpu.SemaphoreType.DMA,
    ]

    @functools.partial(
        pl.kernel,
        out_type=jax.ShapeDtypeStruct((X_ROWS + TILE, D), jnp.float32),
        mesh=mesh,
        scratch_types=scratch,
    )
    def scatter_x(hs_hbm, pos_hbm, xs_hbm, idx_v, rows_v, sem):
        wid = lax.axis_index("s") * NC + lax.axis_index("c")
        base = wid * CH
        tok = lax.rem(base, S)
        for h in range(CH // HALF):
            pltpu.sync_copy(pos_hbm.at[pl.ds(base + h * HALF, HALF)], idx_v)
            pltpu.sync_copy(hs_hbm.at[pl.ds(tok + h * HALF, HALF)], rows_v)
            pltpu.async_copy(rows_v, xs_hbm.at[idx_v], sem).wait()

    @functools.partial(
        pl.kernel,
        out_type=jax.ShapeDtypeStruct((P, D), jnp.float32),
        mesh=mesh,
        scratch_types=scratch,
    )
    def gather_y(ys_hbm, pos_hbm, yp_hbm, idx_v, rows_v, sem):
        wid = lax.axis_index("s") * NC + lax.axis_index("c")
        base = wid * CH
        for h in range(CH // HALF):
            pltpu.sync_copy(pos_hbm.at[pl.ds(base + h * HALF, HALF)], idx_v)
            pltpu.async_copy(ys_hbm.at[idx_v], rows_v, sem).wait()
            pltpu.sync_copy(rows_v, yp_hbm.at[pl.ds(base + h * HALF, HALF)])

    return scatter_x, gather_y


def _expert_body(te_ref, xi_ref, x_ref, gu_ref, dw_ref, dep_ref, y_ref):
    del dep_ref
    g_id = pl.program_id(0)

    @pl.when(xi_ref[g_id] == g_id)
    def _():
        x = x_ref[...]
        gu = gu_ref[0]
        h = lax.dot_general(x, gu, (((1,), (1,)), ((), ())),
                            preferred_element_type=jnp.float32)
        g = h[:, :FFN]
        u = h[:, FFN:]
        a = g * (1.0 / (1.0 + jnp.exp(-g))) * u
        dw = dw_ref[0]
        y_ref[...] = lax.dot_general(a, dw, (((1,), (1,)), ((), ())),
                                     preferred_element_type=jnp.float32)


def _experts(texp, xi, x_sorted, gate_up_weights, down_weights, dep):
    grid_spec = pltpu.PrefetchScalarGridSpec(
        num_scalar_prefetch=2,
        grid=(G_MAX,),
        in_specs=[
            pl.BlockSpec((TILE, D), lambda g, te, xi: (xi[g], 0)),
            pl.BlockSpec((1, 2 * FFN, D), lambda g, te, xi: (te[g], 0, 0)),
            pl.BlockSpec((1, D, FFN), lambda g, te, xi: (te[g], 0, 0)),
            pl.BlockSpec((8, 128), lambda g, te, xi: (0, 0)),
        ],
        out_specs=pl.BlockSpec((TILE, D), lambda g, te, xi: (xi[g], 0)),
    )
    return pl.pallas_call(
        _expert_body,
        grid_spec=grid_spec,
        out_shape=jax.ShapeDtypeStruct((X_ROWS + TILE, D), jnp.float32),
    )(texp, xi, x_sorted, gate_up_weights, down_weights, dep)


TOKB = 256


SH = S // 2


def _shared_body(hs_ref, sgw_ref, suw_ref, sdw_ref, segw_ref, sh_ref):
    hs = hs_ref[...]
    sg = lax.dot_general(hs, sgw_ref[...], (((1,), (1,)), ((), ())),
                         preferred_element_type=jnp.float32)
    su = lax.dot_general(hs, suw_ref[...], (((1,), (1,)), ((), ())),
                         preferred_element_type=jnp.float32)
    a = sg * (1.0 / (1.0 + jnp.exp(-sg))) * su
    sh = lax.dot_general(a, sdw_ref[...], (((1,), (1,)), ((), ())),
                         preferred_element_type=jnp.float32)
    glog = jnp.sum(hs * segw_ref[...], axis=1, keepdims=True)
    gate = 1.0 / (1.0 + jnp.exp(-glog))
    sh_ref[...] = gate * sh


def _shared_half(hs, off, sgw, suw, sdw, segw, prev=None):
    nsteps = SH // TOKB
    in_specs = [
        pl.BlockSpec((TOKB, D), lambda i: (i + off, 0)),
        pl.BlockSpec((SFFN, D), lambda i: (0, 0)),
        pl.BlockSpec((SFFN, D), lambda i: (0, 0)),
        pl.BlockSpec((D, SFFN), lambda i: (0, 0)),
        pl.BlockSpec((1, D), lambda i: (0, 0)),
    ]
    args = [hs, sgw, suw, sdw, segw]
    aliases = {}
    body = _shared_body
    if prev is not None:
        def body(hs_ref, sgw_ref, suw_ref, sdw_ref, segw_ref, prev_ref,
                 sh_ref):
            del prev_ref
            _shared_body(hs_ref, sgw_ref, suw_ref, sdw_ref, segw_ref, sh_ref)

        in_specs.append(pl.BlockSpec(memory_space=pl.ANY))
        args.append(prev)
        aliases = {5: 0}
    return pl.pallas_call(
        body,
        grid=(nsteps,),
        in_specs=in_specs,
        out_specs=pl.BlockSpec((TOKB, D), lambda i: (i + off, 0)),
        out_shape=jax.ShapeDtypeStruct((S, D), jnp.float32),
        input_output_aliases=aliases,
    )(*args)


def _combine_body(sh_ref, y0_ref, y1_ref, w0_ref, w1_ref, out_ref):
    out_ref[...] = (sh_ref[...] + w0_ref[0] * y0_ref[0] + w1_ref[0] * y1_ref[0])


def _combine(sh, y3, wcol):
    return pl.pallas_call(
        _combine_body,
        grid=(S // TOKB,),
        in_specs=[
            pl.BlockSpec((TOKB, D), lambda i: (i, 0)),
            pl.BlockSpec((1, TOKB, D), lambda i: (0, i, 0)),
            pl.BlockSpec((1, TOKB, D), lambda i: (1, i, 0)),
            pl.BlockSpec((1, TOKB, 1), lambda i: (0, i, 0)),
            pl.BlockSpec((1, TOKB, 1), lambda i: (1, i, 0)),
        ],
        out_specs=pl.BlockSpec((TOKB, D), lambda i: (i, 0)),
        out_shape=jax.ShapeDtypeStruct((S, D), jnp.float32),
    )(sh, y3, y3, wcol, wcol)


def kernel(hidden_states, gate_w, gate_up_weights, down_weights,
           shared_gate_w, shared_up_w, shared_down_w, shared_expert_gate_w):
    b, s, d = hidden_states.shape
    hs = hidden_states.reshape(s, d)
    logits, wcol, pos, texp, xi = _router(hs, gate_w)
    pos_flat = pos.reshape(P)
    texp_flat = texp.reshape(G_MAX)
    xi_flat = xi.reshape(G_MAX)
    scatter_x, gather_y = _sc_kernels()
    x_sorted = scatter_x(hs, pos_flat)
    sh0 = _shared_half(hs, 0, shared_gate_w, shared_up_w, shared_down_w,
                       shared_expert_gate_w)
    y_sorted = _experts(texp_flat, xi_flat, x_sorted, gate_up_weights,
                        down_weights, sh0)
    y_pairs = gather_y(y_sorted, pos_flat)
    sh = _shared_half(hs, SH // TOKB, shared_gate_w, shared_up_w,
                      shared_down_w, shared_expert_gate_w, prev=sh0)
    y3 = y_pairs.reshape(2, S, D)
    out = _combine(sh, y3, wcol)
    return out.reshape(b, s, d), logits

# --- scband reference (transcript-rebuilt; emitter-appended) ---
"""Pipeline reference for scband-patched-qwen2-moe-sparse-moe-block-15341623181598 (READ-ONLY COPY).

The authoritative reference and input builder live on the scoring server;
editing this copy changes nothing except your own understanding.
"""

import jax, jax.numpy as jnp
import numpy as np

E = 64
TOP_K = 2
D = 1024
FFN = 512
SFFN = 1024
B, S = 1, 2048


def setup_inputs(seed: int = 0) -> dict:
    key = jax.random.key(seed)
    ks = jax.random.split(key, 8)
    hidden_states = jax.random.normal(ks[0], (B, S, D), dtype=jnp.float32)
    gate_w = jax.random.normal(ks[1], (E, D), dtype=jnp.float32) * 0.02
    gate_up_weights = jax.random.normal(ks[2], (E, 2 * FFN, D), dtype=jnp.float32) * 0.02
    down_weights = jax.random.normal(ks[3], (E, D, FFN), dtype=jnp.float32) * 0.02
    shared_gate_w = jax.random.normal(ks[4], (SFFN, D), dtype=jnp.float32) * 0.02
    shared_up_w = jax.random.normal(ks[5], (SFFN, D), dtype=jnp.float32) * 0.02
    shared_down_w = jax.random.normal(ks[6], (D, SFFN), dtype=jnp.float32) * 0.02
    shared_expert_gate_w = jax.random.normal(ks[7], (1, D), dtype=jnp.float32) * 0.02
    return {
        'hidden_states': hidden_states,
        'gate_w': gate_w,
        'gate_up_weights': gate_up_weights,
        'down_weights': down_weights,
        'shared_gate_w': shared_gate_w,
        'shared_up_w': shared_up_w,
        'shared_down_w': shared_down_w,
        'shared_expert_gate_w': shared_expert_gate_w,
    }


def reference(hidden_states, gate_w, gate_up_weights, down_weights,
              shared_gate_w, shared_up_w, shared_down_w, shared_expert_gate_w):
    b, s, d = hidden_states.shape
    hs = hidden_states.reshape(-1, d)
    # router
    router_logits = hs @ gate_w.T
    routing_weights = jax.nn.softmax(router_logits.astype(jnp.float32), axis=-1)
    vals, sel = jax.lax.top_k(routing_weights, TOP_K)
    # norm_topk_prob = False -> no renormalization
    out = jnp.zeros_like(hs)
    ffn = down_weights.shape[2]
    # fused_moe: dispatch tokens to their selected experts, run SwiGLU expert, combine weighted
    for e in range(E):
        mask = (sel == e).astype(vals.dtype)
        w = jnp.sum(vals * mask, axis=1)[:, None]
        gu = hs @ gate_up_weights[e].T
        g = gu[:, :ffn]
        u = gu[:, ffn:]
        he = (jax.nn.silu(g) * u) @ down_weights[e].T
        out = out + w * he
    # shared expert (SwiGLU MLP) gated by sigmoid(shared_expert_gate)
    shared = (jax.nn.silu(hs @ shared_gate_w.T) * (hs @ shared_up_w.T)) @ shared_down_w.T
    shared = jax.nn.sigmoid(hs @ shared_expert_gate_w.T) * shared
    out_states = (out + shared).reshape(b, s, d)
    return (out_states, router_logits)

if __name__ == "__main__":
    import jax
    _d = setup_inputs()
    print(jax.jit(kernel)(*tuple(_d.values())))

</pallas_src>

<mosaic_0001>
#map = affine_map<(d0, d1) -> (0, 0)>
#map1 = affine_map<(d0, d1) -> (0)>
module attributes {stable_mosaic.version = 14 : i64} {
  func.func @gather_y(%arg0: i32, %arg1: i32, %arg2: memref<10368x1024xf32, #tpu.memory_space<hbm>>, %arg3: memref<4096xi32, #tpu.memory_space<hbm>>, %arg4: memref<4096x1024xf32, #tpu.memory_space<hbm>>, %arg5: memref<64xi32, #tpu.memory_space<vmem>>, %arg6: memref<64x1024xf32, #tpu.memory_space<vmem>>, %arg7: memref<!tpu.dma_semaphore, #tpu.memory_space<semaphore_mem>>) attributes {dimension_semantics = [#tpu.dimension_semantics<core_parallel>, #tpu.dimension_semantics<subcore_parallel>], iteration_bounds = array<i64: 2, 16>, scalar_prefetch = 0 : i64, scratch_operands = 3 : i64, tpu.core_type = #tpu.core_type<sc_vector_subcore>, window_params = [{transform_indices = #map}, {transform_indices = #map1}, {transform_indices = #map}]} {
    %mul3A = arith.constant 2 : i32
    %mul3A_0 = arith.muli %arg1, %mul3A : i32
    %add3A = arith.addi %mul3A_0, %arg0 : i32
    %mul3A_1 = arith.constant 128 : i32
    %mul3A_2 = arith.muli %add3A, %mul3A_1 : i32
    %add3A_3 = arith.constant 0 : i32
    %add3A_4 = arith.addi %mul3A_2, %add3A_3 : i32
    "tpu.region"() ({
      %run_scoped3A = tpu.sem_alloc : memref<!tpu.dma_semaphore, #tpu.memory_space<semaphore_mem>>
      %dma_start3A_21 = tpu.memref_slice %arg3[%add3A_4] : memref<4096xi32, #tpu.memory_space<hbm>> -> memref<64xi32, #tpu.memory_space<hbm>>
      %dma_start3A_22 = tpu.memref_slice %arg3[%add3A_4] : memref<4096xi32, #tpu.memory_space<hbm>> -> memref<64xi32, #tpu.memory_space<hbm>>
      tpu.enqueue_dma source(%dma_start3A_22 : memref<64xi32, #tpu.memory_space<hbm>>) target(%arg5 : memref<64xi32, #tpu.memory_space<vmem>>) target_semaphore(%run_scoped3A : memref<!tpu.dma_semaphore, #tpu.memory_space<semaphore_mem>>)
      %dma_wait3A_23 = tpu.memref_slice %arg3[%add3A_4] : memref<4096xi32, #tpu.memory_space<hbm>> -> memref<64xi32, #tpu.memory_space<hbm>>
      %dma_wait3A_24 = tpu.memref_slice %arg3[%add3A_4] : memref<4096xi32, #tpu.memory_space<hbm>> -> memref<64xi32, #tpu.memory_space<hbm>>
      tpu.wait_dma2 semaphore(%run_scoped3A : memref<!tpu.dma_semaphore, #tpu.memory_space<semaphore_mem>>) src(%dma_wait3A_24 : memref<64xi32, #tpu.memory_space<hbm>>) dst(%arg5 : memref<64xi32, #tpu.memory_space<vmem>>)
      tpu.yield
    }) : () -> ()
    %dma_start3A = arith.constant 0 : i32
    %dma_start3A_5 = arith.constant 0 : i32
    %dma_start3A_6 = tpu.memref_slice %arg2[%dma_start3A, %dma_start3A_5] : memref<10368x1024xf32, #tpu.memory_space<hbm>> -> memref<10368x1024xf32, #tpu.memory_space<hbm>>
    tpu.enqueue_indirect_dma source(%dma_start3A_6 : memref<10368x1024xf32, #tpu.memory_space<hbm>>) target(%arg6 : memref<64x1024xf32, #tpu.memory_space<vmem>>) offsets(%arg5 : memref<64xi32, #tpu.memory_space<vmem>>) semaphore(%arg7 : memref<!tpu.dma_semaphore, #tpu.memory_space<semaphore_mem>>)
    %dma_wait3A = arith.constant 0 : i32
    %dma_wait3A_7 = arith.constant 0 : i32
    %dma_wait3A_8 = tpu.memref_slice %arg2[%dma_wait3A, %dma_wait3A_7] : memref<10368x1024xf32, #tpu.memory_space<hbm>> -> memref<10368x1024xf32, #tpu.memory_space<hbm>>
    tpu.wait_indirect_dma semaphore(%arg7 : memref<!tpu.dma_semaphore, #tpu.memory_space<semaphore_mem>>) src(%dma_wait3A_8 : memref<10368x1024xf32, #tpu.memory_space<hbm>>) dst(%arg6 : memref<64x1024xf32, #tpu.memory_space<vmem>>)
    %add3A_9 = arith.constant 0 : i32
    %add3A_10 = arith.addi %mul3A_2, %add3A_9 : i32
    "tpu.region"() ({
      %run_scoped3A = tpu.sem_alloc : memref<!tpu.dma_semaphore, #tpu.memory_space<semaphore_mem>>
      %dma_start3A_21 = arith.constant 0 : i32
      %dma_start3A_22 = tpu.memref_slice %arg4[%add3A_10, %dma_start3A_21] : memref<4096x1024xf32, #tpu.memory_space<hbm>> -> memref<64x1024xf32, #tpu.memory_space<hbm>>
      %dma_start3A_23 = arith.constant 0 : i32
      %dma_start3A_24 = tpu.memref_slice %arg4[%add3A_10, %dma_start3A_23] : memref<4096x1024xf32, #tpu.memory_space<hbm>> -> memref<64x1024xf32, #tpu.memory_space<hbm>>
      tpu.enqueue_dma source(%arg6 : memref<64x1024xf32, #tpu.memory_space<vmem>>) target(%dma_start3A_24 : memref<64x1024xf32, #tpu.memory_space<hbm>>) target_semaphore(%run_scoped3A : memref<!tpu.dma_semaphore, #tpu.memory_space<semaphore_mem>>)
      %dma_wait3A_25 = arith.constant 0 : i32
      %dma_wait3A_26 = tpu.memref_slice %arg4[%add3A_10, %dma_wait3A_25] : memref<4096x1024xf32, #tpu.memory_space<hbm>> -> memref<64x1024xf32, #tpu.memory_space<hbm>>
      %dma_wait3A_27 = arith.constant 0 : i32
      %dma_wait3A_28 = tpu.memref_slice %arg4[%add3A_10, %dma_wait3A_27] : memref<4096x1024xf32, #tpu.memory_space<hbm>> -> memref<64x1024xf32, #tpu.memory_space<hbm>>
      tpu.wait_dma2 semaphore(%run_scoped3A : memref<!tpu.dma_semaphore, #tpu.memory_space<semaphore_mem>>) src(%arg6 : memref<64x1024xf32, #tpu.memory_space<vmem>>) dst(%dma_wait3A_28 : memref<64x1024xf32, #tpu.memory_space<hbm>>)
      tpu.yield
    }) : () -> ()
    %add3A_11 = arith.constant 64 : i32
    %add3A_12 = arith.addi %mul3A_2, %add3A_11 : i32
    "tpu.region"() ({
      %run_scoped3A = tpu.sem_alloc : memref<!tpu.dma_semaphore, #tpu.memory_space<semaphore_mem>>
      %dma_start3A_21 = tpu.memref_slice %arg3[%add3A_12] : memref<4096xi32, #tpu.memory_space<hbm>> -> memref<64xi32, #tpu.memory_space<hbm>>
      %dma_start3A_22 = tpu.memref_slice %arg3[%add3A_12] : memref<4096xi32, #tpu.memory_space<hbm>> -> memref<64xi32, #tpu.memory_space<hbm>>
      tpu.enqueue_dma source(%dma_start3A_22 : memref<64xi32, #tpu.memory_space<hbm>>) target(%arg5 : memref<64xi32, #tpu.memory_space<vmem>>) target_semaphore(%run_scoped3A : memref<!tpu.dma_semaphore, #tpu.memory_space<semaphore_mem>>)
      %dma_wait3A_23 = tpu.memref_slice %arg3[%add3A_12] : memref<4096xi32, #tpu.memory_space<hbm>> -> memref<64xi32, #tpu.memory_space<hbm>>
      %dma_wait3A_24 = tpu.memref_slice %arg3[%add3A_12] : memref<4096xi32, #tpu.memory_space<hbm>> -> memref<64xi32, #tpu.memory_space<hbm>>
      tpu.wait_dma2 semaphore(%run_scoped3A : memref<!tpu.dma_semaphore, #tpu.memory_space<semaphore_mem>>) src(%dma_wait3A_24 : memref<64xi32, #tpu.memory_space<hbm>>) dst(%arg5 : memref<64xi32, #tpu.memory_space<vmem>>)
      tpu.yield
    }) : () -> ()
    %dma_start3A_13 = arith.constant 0 : i32
    %dma_start3A_14 = arith.constant 0 : i32
    %dma_start3A_15 = tpu.memref_slice %arg2[%dma_start3A_13, %dma_start3A_14] : memref<10368x1024xf32, #tpu.memory_space<hbm>> -> memref<10368x1024xf32, #tpu.memory_space<hbm>>
    tpu.enqueue_indirect_dma source(%dma_start3A_15 : memref<10368x1024xf32, #tpu.memory_space<hbm>>) target(%arg6 : memref<64x1024xf32, #tpu.memory_space<vmem>>) offsets(%arg5 : memref<64xi32, #tpu.memory_space<vmem>>) semaphore(%arg7 : memref<!tpu.dma_semaphore, #tpu.memory_space<semaphore_mem>>)
    %dma_wait3A_16 = arith.constant 0 : i32
    %dma_wait3A_17 = arith.constant 0 : i32
    %dma_wait3A_18 = tpu.memref_slice %arg2[%dma_wait3A_16, %dma_wait3A_17] : memref<10368x1024xf32, #tpu.memory_space<hbm>> -> memref<10368x1024xf32, #tpu.memory_space<hbm>>
    tpu.wait_indirect_dma semaphore(%arg7 : memref<!tpu.dma_semaphore, #tpu.memory_space<semaphore_mem>>) src(%dma_wait3A_18 : memref<10368x1024xf32, #tpu.memory_space<hbm>>) dst(%arg6 : memref<64x1024xf32, #tpu.memory_space<vmem>>)
    %add3A_19 = arith.constant 64 : i32
    %add3A_20 = arith.addi %mul3A_2, %add3A_19 : i32
    "tpu.region"() ({
      %run_scoped3A = tpu.sem_alloc : memref<!tpu.dma_semaphore, #tpu.memory_space<semaphore_mem>>
      %dma_start3A_21 = arith.constant 0 : i32
      %dma_start3A_22 = tpu.memref_slice %arg4[%add3A_20, %dma_start3A_21] : memref<4096x1024xf32, #tpu.memory_space<hbm>> -> memref<64x1024xf32, #tpu.memory_space<hbm>>
      %dma_start3A_23 = arith.constant 0 : i32
      %dma_start3A_24 = tpu.memref_slice %arg4[%add3A_20, %dma_start3A_23] : memref<4096x1024xf32, #tpu.memory_space<hbm>> -> memref<64x1024xf32, #tpu.memory_space<hbm>>
      tpu.enqueue_dma source(%arg6 : memref<64x1024xf32, #tpu.memory_space<vmem>>) target(%dma_start3A_24 : memref<64x1024xf32, #tpu.memory_space<hbm>>) target_semaphore(%run_scoped3A : memref<!tpu.dma_semaphore, #tpu.memory_space<semaphore_mem>>)
      %dma_wait3A_25 = arith.constant 0 : i32
      %dma_wait3A_26 = tpu.memref_slice %arg4[%add3A_20, %dma_wait3A_25] : memref<4096x1024xf32, #tpu.memory_space<hbm>> -> memref<64x1024xf32, #tpu.memory_space<hbm>>
      %dma_wait3A_27 = arith.constant 0 : i32
      %dma_wait3A_28 = tpu.memref_slice %arg4[%add3A_20, %dma_wait3A_27] : memref<4096x1024xf32, #tpu.memory_space<hbm>> -> memref<64x1024xf32, #tpu.memory_space<hbm>>
      tpu.wait_dma2 semaphore(%run_scoped3A : memref<!tpu.dma_semaphore, #tpu.memory_space<semaphore_mem>>) src(%arg6 : memref<64x1024xf32, #tpu.memory_space<vmem>>) dst(%dma_wait3A_28 : memref<64x1024xf32, #tpu.memory_space<hbm>>)
      tpu.yield
    }) : () -> ()
    return
  }
}

#map = affine_map<(d0, d1) -> (0, 0)>
#map1 = affine_map<(d0, d1) -> (0)>
module attributes {stable_mosaic.version = 14 : i64} {
  func.func @scatter_x(%arg0: i32, %arg1: i32, %arg2: memref<2048x1024xf32, #tpu.memory_space<hbm>>, %arg3: memref<4096xi32, #tpu.memory_space<hbm>>, %arg4: memref<10368x1024xf32, #tpu.memory_space<hbm>>, %arg5: memref<64xi32, #tpu.memory_space<vmem>>, %arg6: memref<64x1024xf32, #tpu.memory_space<vmem>>, %arg7: memref<!tpu.dma_semaphore, #tpu.memory_space<semaphore_mem>>) attributes {dimension_semantics = [#tpu.dimension_semantics<core_parallel>, #tpu.dimension_semantics<subcore_parallel>], iteration_bounds = array<i64: 2, 16>, scalar_prefetch = 0 : i64, scratch_operands = 3 : i64, tpu.core_type = #tpu.core_type<sc_vector_subcore>, window_params = [{transform_indices = #map}, {transform_indices = #map1}, {transform_indices = #map}]} {
    %mul3A = arith.constant 2 : i32
    %mul3A_0 = arith.muli %arg1, %mul3A : i32
    %add3A = arith.addi %mul3A_0, %arg0 : i32
    %mul3A_1 = arith.constant 128 : i32
    %mul3A_2 = arith.muli %add3A, %mul3A_1 : i32
    %rem3A = arith.constant 2048 : i32
    %rem3A_3 = arith.remsi %mul3A_2, %rem3A : i32
    %add3A_4 = arith.constant 0 : i32
    %add3A_5 = arith.addi %mul3A_2, %add3A_4 : i32
    "tpu.region"() ({
      %run_scoped3A = tpu.sem_alloc : memref<!tpu.dma_semaphore, #tpu.memory_space<semaphore_mem>>
      %dma_start3A_22 = tpu.memref_slice %arg3[%add3A_5] : memref<4096xi32, #tpu.memory_space<hbm>> -> memref<64xi32, #tpu.memory_space<hbm>>
      %dma_start3A_23 = tpu.memref_slice %arg3[%add3A_5] : memref<4096xi32, #tpu.memory_space<hbm>> -> memref<64xi32, #tpu.memory_space<hbm>>
      tpu.enqueue_dma source(%dma_start3A_23 : memref<64xi32, #tpu.memory_space<hbm>>) target(%arg5 : memref<64xi32, #tpu.memory_space<vmem>>) target_semaphore(%run_scoped3A : memref<!tpu.dma_semaphore, #tpu.memory_space<semaphore_mem>>)
      %dma_wait3A_24 = tpu.memref_slice %arg3[%add3A_5] : memref<4096xi32, #tpu.memory_space<hbm>> -> memref<64xi32, #tpu.memory_space<hbm>>
      %dma_wait3A_25 = tpu.memref_slice %arg3[%add3A_5] : memref<4096xi32, #tpu.memory_space<hbm>> -> memref<64xi32, #tpu.memory_space<hbm>>
      tpu.wait_dma2 semaphore(%run_scoped3A : memref<!tpu.dma_semaphore, #tpu.memory_space<semaphore_mem>>) src(%dma_wait3A_25 : memref<64xi32, #tpu.memory_space<hbm>>) dst(%arg5 : memref<64xi32, #tpu.memory_space<vmem>>)
      tpu.yield
    }) : () -> ()
    %add3A_6 = arith.constant 0 : i32
    %add3A_7 = arith.addi %rem3A_3, %add3A_6 : i32
    "tpu.region"() ({
      %run_scoped3A = tpu.sem_alloc : memref<!tpu.dma_semaphore, #tpu.memory_space<semaphore_mem>>
      %dma_start3A_22 = arith.constant 0 : i32
      %dma_start3A_23 = tpu.memref_slice %arg2[%add3A_7, %dma_start3A_22] : memref<2048x1024xf32, #tpu.memory_space<hbm>> -> memref<64x1024xf32, #tpu.memory_space<hbm>>
      %dma_start3A_24 = arith.constant 0 : i32
      %dma_start3A_25 = tpu.memref_slice %arg2[%add3A_7, %dma_start3A_24] : memref<2048x1024xf32, #tpu.memory_space<hbm>> -> memref<64x1024xf32, #tpu.memory_space<hbm>>
      tpu.enqueue_dma source(%dma_start3A_25 : memref<64x1024xf32, #tpu.memory_space<hbm>>) target(%arg6 : memref<64x1024xf32, #tpu.memory_space<vmem>>) target_semaphore(%run_scoped3A : memref<!tpu.dma_semaphore, #tpu.memory_space<semaphore_mem>>)
      %dma_wait3A_26 = arith.constant 0 : i32
      %dma_wait3A_27 = tpu.memref_slice %arg2[%add3A_7, %dma_wait3A_26] : memref<2048x1024xf32, #tpu.memory_space<hbm>> -> memref<64x1024xf32, #tpu.memory_space<hbm>>
      %dma_wait3A_28 = arith.constant 0 : i32
      %dma_wait3A_29 = tpu.memref_slice %arg2[%add3A_7, %dma_wait3A_28] : memref<2048x1024xf32, #tpu.memory_space<hbm>> -> memref<64x1024xf32, #tpu.memory_space<hbm>>
      tpu.wait_dma2 semaphore(%run_scoped3A : memref<!tpu.dma_semaphore, #tpu.memory_space<semaphore_mem>>) src(%dma_wait3A_29 : memref<64x1024xf32, #tpu.memory_space<hbm>>) dst(%arg6 : memref<64x1024xf32, #tpu.memory_space<vmem>>)
      tpu.yield
    }) : () -> ()
    %dma_start3A = arith.constant 0 : i32
    %dma_start3A_8 = arith.constant 0 : i32
    %dma_start3A_9 = tpu.memref_slice %arg4[%dma_start3A, %dma_start3A_8] : memref<10368x1024xf32, #tpu.memory_space<hbm>> -> memref<10368x1024xf32, #tpu.memory_space<hbm>>
    tpu.enqueue_indirect_dma source(%arg6 : memref<64x1024xf32, #tpu.memory_space<vmem>>) target(%dma_start3A_9 : memref<10368x1024xf32, #tpu.memory_space<hbm>>) offsets(%arg5 : memref<64xi32, #tpu.memory_space<vmem>>) semaphore(%arg7 : memref<!tpu.dma_semaphore, #tpu.memory_space<semaphore_mem>>)
    %dma_wait3A = arith.constant 0 : i32
    %dma_wait3A_10 = arith.constant 0 : i32
    %dma_wait3A_11 = tpu.memref_slice %arg4[%dma_wait3A, %dma_wait3A_10] : memref<10368x1024xf32, #tpu.memory_space<hbm>> -> memref<10368x1024xf32, #tpu.memory_space<hbm>>
    tpu.wait_indirect_dma semaphore(%arg7 : memref<!tpu.dma_semaphore, #tpu.memory_space<semaphore_mem>>) src(%arg6 : memref<64x1024xf32, #tpu.memory_space<vmem>>) dst(%dma_wait3A_11 : memref<10368x1024xf32, #tpu.memory_space<hbm>>)
    %add3A_12 = arith.constant 64 : i32
    %add3A_13 = arith.addi %mul3A_2, %add3A_12 : i32
    "tpu.region"() ({
      %run_scoped3A = tpu.sem_alloc : memref<!tpu.dma_semaphore, #tpu.memory_space<semaphore_mem>>
      %dma_start3A_22 = tpu.memref_slice %arg3[%add3A_13] : memref<4096xi32, #tpu.memory_space<hbm>> -> memref<64xi32, #tpu.memory_space<hbm>>
      %dma_start3A_23 = tpu.memref_slice %arg3[%add3A_13] : memref<4096xi32, #tpu.memory_space<hbm>> -> memref<64xi32, #tpu.memory_space<hbm>>
      tpu.enqueue_dma source(%dma_start3A_23 : memref<64xi32, #tpu.memory_space<hbm>>) target(%arg5 : memref<64xi32, #tpu.memory_space<vmem>>) target_semaphore(%run_scoped3A : memref<!tpu.dma_semaphore, #tpu.memory_space<semaphore_mem>>)
      %dma_wait3A_24 = tpu.memref_slice %arg3[%add3A_13] : memref<4096xi32, #tpu.memory_space<hbm>> -> memref<64xi32, #tpu.memory_space<hbm>>
      %dma_wait3A_25 = tpu.memref_slice %arg3[%add3A_13] : memref<4096xi32, #tpu.memory_space<hbm>> -> memref<64xi32, #tpu.memory_space<hbm>>
      tpu.wait_dma2 semaphore(%run_scoped3A : memref<!tpu.dma_semaphore, #tpu.memory_space<semaphore_mem>>) src(%dma_wait3A_25 : memref<64xi32, #tpu.memory_space<hbm>>) dst(%arg5 : memref<64xi32, #tpu.memory_space<vmem>>)
      tpu.yield
    }) : () -> ()
    %add3A_14 = arith.constant 64 : i32
    %add3A_15 = arith.addi %rem3A_3, %add3A_14 : i32
    "tpu.region"() ({
      %run_scoped3A = tpu.sem_alloc : memref<!tpu.dma_semaphore, #tpu.memory_space<semaphore_mem>>
      %dma_start3A_22 = arith.constant 0 : i32
      %dma_start3A_23 = tpu.memref_slice %arg2[%add3A_15, %dma_start3A_22] : memref<2048x1024xf32, #tpu.memory_space<hbm>> -> memref<64x1024xf32, #tpu.memory_space<hbm>>
      %dma_start3A_24 = arith.constant 0 : i32
      %dma_start3A_25 = tpu.memref_slice %arg2[%add3A_15, %dma_start3A_24] : memref<2048x1024xf32, #tpu.memory_space<hbm>> -> memref<64x1024xf32, #tpu.memory_space<hbm>>
      tpu.enqueue_dma source(%dma_start3A_25 : memref<64x1024xf32, #tpu.memory_space<hbm>>) target(%arg6 : memref<64x1024xf32, #tpu.memory_space<vmem>>) target_semaphore(%run_scoped3A : memref<!tpu.dma_semaphore, #tpu.memory_space<semaphore_mem>>)
      %dma_wait3A_26 = arith.constant 0 : i32
      %dma_wait3A_27 = tpu.memref_slice %arg2[%add3A_15, %dma_wait3A_26] : memref<2048x1024xf32, #tpu.memory_space<hbm>> -> memref<64x1024xf32, #tpu.memory_space<hbm>>
      %dma_wait3A_28 = arith.constant 0 : i32
      %dma_wait3A_29 = tpu.memref_slice %arg2[%add3A_15, %dma_wait3A_28] : memref<2048x1024xf32, #tpu.memory_space<hbm>> -> memref<64x1024xf32, #tpu.memory_space<hbm>>
      tpu.wait_dma2 semaphore(%run_scoped3A : memref<!tpu.dma_semaphore, #tpu.memory_space<semaphore_mem>>) src(%dma_wait3A_29 : memref<64x1024xf32, #tpu.memory_space<hbm>>) dst(%arg6 : memref<64x1024xf32, #tpu.memory_space<vmem>>)
      tpu.yield
    }) : () -> ()
    %dma_start3A_16 = arith.constant 0 : i32
    %dma_start3A_17 = arith.constant 0 : i32
    %dma_start3A_18 = tpu.memref_slice %arg4[%dma_start3A_16, %dma_start3A_17] : memref<10368x1024xf32, #tpu.memory_space<hbm>> -> memref<10368x1024xf32, #tpu.memory_space<hbm>>
    tpu.enqueue_indirect_dma source(%arg6 : memref<64x1024xf32, #tpu.memory_space<vmem>>) target(%dma_start3A_18 : memref<10368x1024xf32, #tpu.memory_space<hbm>>) offsets(%arg5 : memref<64xi32, #tpu.memory_space<vmem>>) semaphore(%arg7 : memref<!tpu.dma_semaphore, #tpu.memory_space<semaphore_mem>>)
    %dma_wait3A_19 = arith.constant 0 : i32
    %dma_wait3A_20 = arith.constant 0 : i32
    %dma_wait3A_21 = tpu.memref_slice %arg4[%dma_wait3A_19, %dma_wait3A_20] : memref<10368x1024xf32, #tpu.memory_space<hbm>> -> memref<10368x1024xf32, #tpu.memory_space<hbm>>
    tpu.wait_indirect_dma semaphore(%arg7 : memref<!tpu.dma_semaphore, #tpu.memory_space<semaphore_mem>>) src(%arg6 : memref<64x1024xf32, #tpu.memory_space<vmem>>) dst(%dma_wait3A_21 : memref<10368x1024xf32, #tpu.memory_space<hbm>>)
    return
  }
}

module attributes {stable_mosaic.version = 14 : i64} {
  func.func @_shared_body(%arg0: i32, %arg1: memref<256x1024xf32, #tpu.memory_space<vmem>>, %arg2: memref<1024x1024xf32, #tpu.memory_space<vmem>>, %arg3: memref<1024x1024xf32, #tpu.memory_space<vmem>>, %arg4: memref<1024x1024xf32, #tpu.memory_space<vmem>>, %arg5: memref<1x1024xf32, #tpu.memory_space<vmem>>, %arg6: memref<256x1024xf32, #tpu.memory_space<vmem>>) attributes {dimension_semantics = [#tpu.dimension_semantics<arbitrary>], iteration_bounds = array<i64: 4>, scalar_prefetch = 0 : i64, scratch_operands = 0 : i64, tpu.core_type = #tpu.core_type<tc>, window_params = [{transform_indices = @transform_0, window_bounds = array<i64: 256, 1024>}, {pipeline_mode = #tpu.pipeline_mode<synchronous>, transform_indices = @transform_1, window_bounds = array<i64: 1024, 1024>}, {pipeline_mode = #tpu.pipeline_mode<synchronous>, transform_indices = @transform_2, window_bounds = array<i64: 1024, 1024>}, {pipeline_mode = #tpu.pipeline_mode<synchronous>, transform_indices = @transform_3, window_bounds = array<i64: 1024, 1024>}, {pipeline_mode = #tpu.pipeline_mode<synchronous>, transform_indices = @transform_4, window_bounds = array<i64: 1, 1024>}, {transform_indices = @transform_5, window_bounds = array<i64: 256, 1024>}]} {
    %get3A = arith.constant 0 : index
    %get3A_0 = arith.constant 0 : index
    %get3A_1 = vector.load %arg1[%get3A, %get3A_0] : memref<256x1024xf32, #tpu.memory_space<vmem>>, vector<256x1024xf32>
    %get3A_2 = arith.constant 0 : index
    %get3A_3 = arith.constant 0 : index
    %get3A_4 = vector.load %arg2[%get3A_2, %get3A_3] : memref<1024x1024xf32, #tpu.memory_space<vmem>>, vector<1024x1024xf32>
    %dot_general3A = arith.constant dense<0.000000e+00> : vector<256x1024xf32>
    %dot_general3A_5 = tpu.matmul %get3A_1, %get3A_4, %dot_general3A {dimension_numbers = #tpu.dot_dimension_numbers<[1], [1], [0], [0], [0, 0, 1, 0], [], []>, transpose_lhs_hint = false} : vector<256x1024xf32>, vector<1024x1024xf32>, vector<256x1024xf32> -> vector<256x1024xf32>
    %get3A_6 = arith.constant 0 : index
    %get3A_7 = arith.constant 0 : index
    %get3A_8 = vector.load %arg3[%get3A_6, %get3A_7] : memref<1024x1024xf32, #tpu.memory_space<vmem>>, vector<1024x1024xf32>
    %dot_general3A_9 = arith.constant dense<0.000000e+00> : vector<256x1024xf32>
    %dot_general3A_10 = tpu.matmul %get3A_1, %get3A_8, %dot_general3A_9 {dimension_numbers = #tpu.dot_dimension_numbers<[1], [1], [0], [0], [0, 0, 1, 0], [], []>, transpose_lhs_hint = false} : vector<256x1024xf32>, vector<1024x1024xf32>, vector<256x1024xf32> -> vector<256x1024xf32>
    %neg3A = arith.constant 0.000000e+00 : f32
    %neg3A_11 = vector.broadcast %neg3A : f32 to vector<256x1024xf32>
    %neg3A_12 = arith.subf %neg3A_11, %dot_general3A_5 : vector<256x1024xf32>
    %exp3A = math.exp %neg3A_12 : vector<256x1024xf32>
    %add3A = arith.constant 1.000000e+00 : f32
    %add3A_13 = vector.broadcast %add3A : f32 to vector<256x1024xf32>
    %add3A_14 = arith.addf %add3A_13, %exp3A : vector<256x1024xf32>
    %div3A = arith.constant 1.000000e+00 : f32
    %div3A_15 = vector.broadcast %div3A : f32 to vector<256x1024xf32>
    %div3A_16 = arith.divf %div3A_15, %add3A_14 : vector<256x1024xf32>
    %mul3A = arith.mulf %dot_general3A_5, %div3A_16 : vector<256x1024xf32>
    %mul3A_17 = arith.mulf %mul3A, %dot_general3A_10 : vector<256x1024xf32>
    %get3A_18 = arith.constant 0 : index
    %get3A_19 = arith.constant 0 : index
    %get3A_20 = vector.load %arg4[%get3A_18, %get3A_19] : memref<1024x1024xf32, #tpu.memory_space<vmem>>, vector<1024x1024xf32>
    %dot_general3A_21 = arith.constant dense<0.000000e+00> : vector<256x1024xf32>
    %dot_general3A_22 = tpu.matmul %mul3A_17, %get3A_20, %dot_general3A_21 {dimension_numbers = #tpu.dot_dimension_numbers<[1], [1], [0], [0], [0, 0, 1, 0], [], []>, transpose_lhs_hint = false} : vector<256x1024xf32>, vector<1024x1024xf32>, vector<256x1024xf32> -> vector<256x1024xf32>
    %get3A_23 = arith.constant 0 : index
    %get3A_24 = arith.constant 0 : index
    %get3A_25 = vector.load %arg5[%get3A_23, %get3A_24] : memref<1x1024xf32, #tpu.memory_space<vmem>>, vector<1x1024xf32>
    %mul3A_26 = vector.broadcast %get3A_25 : vector<1x1024xf32> to vector<256x1024xf32>
    %mul3A_27 = arith.mulf %get3A_1, %mul3A_26 : vector<256x1024xf32>
    %reduce_sum3A = arith.constant dense<0.000000e+00> : vector<256xf32>
    %reduce_sum3A_28 = vector.multi_reduction <add>, %mul3A_27, %reduce_sum3A [1] : vector<256x1024xf32> to vector<256xf32>
    %broadcast_in_dim3A = vector.shape_cast %reduce_sum3A_28 : vector<256xf32> to vector<256x1xf32>
    %neg3A_29 = arith.constant 0.000000e+00 : f32
    %neg3A_30 = vector.broadcast %neg3A_29 : f32 to vector<256x1xf32>
    %neg3A_31 = arith.subf %neg3A_30, %broadcast_in_dim3A : vector<256x1xf32>
    %exp3A_32 = math.exp %neg3A_31 : vector<256x1xf32>
    %add3A_33 = arith.constant 1.000000e+00 : f32
    %add3A_34 = vector.broadcast %add3A_33 : f32 to vector<256x1xf32>
    %add3A_35 = arith.addf %add3A_34, %exp3A_32 : vector<256x1xf32>
    %div3A_36 = arith.constant 1.000000e+00 : f32
    %div3A_37 = vector.broadcast %div3A_36 : f32 to vector<256x1xf32>
    %div3A_38 = arith.divf %div3A_37, %add3A_35 : vector<256x1xf32>
    %mul3A_39 = vector.broadcast %div3A_38 : vector<256x1xf32> to vector<256x1024xf32>
    %mul3A_40 = arith.mulf %mul3A_39, %dot_general3A_22 : vector<256x1024xf32>
    %swap3A = arith.constant 0 : index
    %swap3A_41 = arith.constant 0 : index
    %swap3A_42 = vector.load %arg6[%swap3A, %swap3A_41] : memref<256x1024xf32, #tpu.memory_space<vmem>>, vector<256x1024xf32>
    tpu.vector_store %arg6[%swap3A, %swap3A_41], %mul3A_40 {strides = array<i32>} : memref<256x1024xf32, #tpu.memory_space<vmem>>, vector<256x1024xf32>,
    return
  }
  func.func @transform_0(%arg0: i32) -> (i32, i32) {
    %add3A = arith.constant 0 : i32
    %add3A_0 = arith.addi %arg0, %add3A : i32
    %c0_i32 = arith.constant 0 : i32
    %c0_i32_1 = arith.constant 0 : i32
    return %add3A_0, %c0_i32 : i32, i32
  }
  func.func @transform_1(%arg0: i32) -> (i32, i32) {
    %c0_i32 = arith.constant 0 : i32
    %c0_i32_0 = arith.constant 0 : i32
    %c0_i32_1 = arith.constant 0 : i32
    return %c0_i32, %c0_i32_0 : i32, i32
  }
  func.func @transform_2(%arg0: i32) -> (i32, i32) {
    %c0_i32 = arith.constant 0 : i32
    %c0_i32_0 = arith.constant 0 : i32
    %c0_i32_1 = arith.constant 0 : i32
    return %c0_i32, %c0_i32_0 : i32, i32
  }
  func.func @transform_3(%arg0: i32) -> (i32, i32) {
    %c0_i32 = arith.constant 0 : i32
    %c0_i32_0 = arith.constant 0 : i32
    %c0_i32_1 = arith.constant 0 : i32
    return %c0_i32, %c0_i32_0 : i32, i32
  }
  func.func @transform_4(%arg0: i32) -> (i32, i32) {
    %c0_i32 = arith.constant 0 : i32
    %c0_i32_0 = arith.constant 0 : i32
    %c0_i32_1 = arith.constant 0 : i32
    return %c0_i32, %c0_i32_0 : i32, i32
  }
  func.func @transform_5(%arg0: i32) -> (i32, i32) {
    %add3A = arith.constant 0 : i32
    %add3A_0 = arith.addi %arg0, %add3A : i32
    %c0_i32 = arith.constant 0 : i32
    %c0_i32_1 = arith.constant 0 : i32
    return %add3A_0, %c0_i32 : i32, i32
  }
}

module attributes {stable_mosaic.version = 14 : i64} {
  func.func @_router_body(%arg0: memref<2048x1024xf32, #tpu.memory_space<vmem>>, %arg1: memref<64x1024xf32, #tpu.memory_space<vmem>>, %arg2: memref<2048x64xf32, #tpu.memory_space<vmem>>, %arg3: memref<2x2048x1xf32, #tpu.memory_space<vmem>>, %arg4: memref<4096x1xi32, #tpu.memory_space<vmem>>, %arg5: memref<107x1xi32, #tpu.memory_space<vmem>>, %arg6: memref<107x1xi32, #tpu.memory_space<vmem>>, %arg7: memref<4096x128xf32, #tpu.memory_space<vmem>>) attributes {dimension_semantics = [], scalar_prefetch = 0 : i64, scratch_operands = 1 : i64, tpu.core_type = #tpu.core_type<tc>} {
    %get3A = arith.constant 0 : index
    %get3A_0 = arith.constant 0 : index
    %get3A_1 = vector.load %arg0[%get3A, %get3A_0] : memref<2048x1024xf32, #tpu.memory_space<vmem>>, vector<2048x1024xf32>
    %get3A_2 = arith.constant 0 : index
    %get3A_3 = arith.constant 0 : index
    %get3A_4 = vector.load %arg1[%get3A_2, %get3A_3] : memref<64x1024xf32, #tpu.memory_space<vmem>>, vector<64x1024xf32>
    %dot_general3A = arith.constant dense<0.000000e+00> : vector<2048x64xf32>
    %dot_general3A_5 = tpu.matmul %get3A_1, %get3A_4, %dot_general3A {dimension_numbers = #tpu.dot_dimension_numbers<[1], [1], [0], [0], [0, 0, 1, 0], [], []>, transpose_lhs_hint = false} : vector<2048x1024xf32>, vector<64x1024xf32>, vector<2048x64xf32> -> vector<2048x64xf32>
    %swap3A = arith.constant 0 : index
    %swap3A_6 = arith.constant 0 : index
    %swap3A_7 = vector.load %arg2[%swap3A, %swap3A_6] : memref<2048x64xf32, #tpu.memory_space<vmem>>, vector<2048x64xf32>
    tpu.vector_store %arg2[%swap3A, %swap3A_6], %dot_general3A_5 {strides = array<i32>} : memref<2048x64xf32, #tpu.memory_space<vmem>>, vector<2048x64xf32>,
    %reduce_max3A = arith.constant dense<0xFF800000> : vector<2048xf32>
    %reduce_max3A_8 = vector.multi_reduction <maximumf>, %dot_general3A_5, %reduce_max3A [1] : vector<2048x64xf32> to vector<2048xf32>
    %broadcast_in_dim3A = vector.shape_cast %reduce_max3A_8 : vector<2048xf32> to vector<2048x1xf32>
    %sub3A = vector.broadcast %broadcast_in_dim3A : vector<2048x1xf32> to vector<2048x64xf32>
    %sub3A_9 = arith.subf %dot_general3A_5, %sub3A : vector<2048x64xf32>
    %exp3A = math.exp %sub3A_9 : vector<2048x64xf32>
    %reduce_sum3A = arith.constant dense<0.000000e+00> : vector<2048xf32>
    %reduce_sum3A_10 = vector.multi_reduction <add>, %exp3A, %reduce_sum3A [1] : vector<2048x64xf32> to vector<2048xf32>
    %broadcast_in_dim3A_11 = vector.shape_cast %reduce_sum3A_10 : vector<2048xf32> to vector<2048x1xf32>
    %div3A = vector.broadcast %broadcast_in_dim3A_11 : vector<2048x1xf32> to vector<2048x64xf32>
    %div3A_12 = arith.divf %exp3A, %div3A : vector<2048x64xf32>
    %iota3A = tpu.iota {dimensions = array<i32: 1>} : vector<2048x64xi32>
    %convert_element_type3A = arith.sitofp %iota3A : vector<2048x64xi32> to vector<2048x64xf32>
    %reduce_max3A_13 = arith.constant dense<0xFF800000> : vector<2048xf32>
    %reduce_max3A_14 = vector.multi_reduction <maximumf>, %div3A_12, %reduce_max3A_13 [1] : vector<2048x64xf32> to vector<2048xf32>
    %broadcast_in_dim3A_15 = vector.shape_cast %reduce_max3A_14 : vector<2048xf32> to vector<2048x1xf32>
    %eq3A = vector.broadcast %broadcast_in_dim3A_15 : vector<2048x1xf32> to vector<2048x64xf32>
    %eq3A_16 = arith.cmpf oeq, %div3A_12, %eq3A : vector<2048x64xf32>
    %jit3A = arith.constant 6.400000e+01 : f32
    %broadcast_in_dim3A_17 = vector.broadcast %jit3A : f32 to vector<2048x64xf32>
    %select_n3A = arith.select %eq3A_16, %convert_element_type3A, %broadcast_in_dim3A_17 : vector<2048x64xi1>, vector<2048x64xf32>
    %reduce_min3A = arith.constant dense<0x7F800000> : vector<2048xf32>
    %reduce_min3A_18 = vector.multi_reduction <minimumf>, %select_n3A, %reduce_min3A [1] : vector<2048x64xf32> to vector<2048xf32>
    %broadcast_in_dim3A_19 = vector.shape_cast %reduce_min3A_18 : vector<2048xf32> to vector<2048x1xf32>
    %eq3A_20 = vector.broadcast %broadcast_in_dim3A_19 : vector<2048x1xf32> to vector<2048x64xf32>
    %eq3A_21 = arith.cmpf oeq, %convert_element_type3A, %eq3A_20 : vector<2048x64xf32>
    %jit3A_22 = arith.constant -1.000000e+00 : f32
    %broadcast_in_dim3A_23 = vector.broadcast %jit3A_22 : f32 to vector<2048x64xf32>
    %select_n3A_24 = arith.select %eq3A_21, %broadcast_in_dim3A_23, %div3A_12 : vector<2048x64xi1>, vector<2048x64xf32>
    %reduce_max3A_25 = arith.constant dense<0xFF800000> : vector<2048xf32>
    %reduce_max3A_26 = vector.multi_reduction <maximumf>, %select_n3A_24, %reduce_max3A_25 [1] : vector<2048x64xf32> to vector<2048xf32>
    %broadcast_in_dim3A_27 = vector.shape_cast %reduce_max3A_26 : vector<2048xf32> to vector<2048x1xf32>
    %eq3A_28 = vector.broadcast %broadcast_in_dim3A_27 : vector<2048x1xf32> to vector<2048x64xf32>
    %eq3A_29 = arith.cmpf oeq, %select_n3A_24, %eq3A_28 : vector<2048x64xf32>
    %jit3A_30 = arith.constant 6.400000e+01 : f32
    %broadcast_in_dim3A_31 = vector.broadcast %jit3A_30 : f32 to vector<2048x64xf32>
    %select_n3A_32 = arith.select %eq3A_29, %convert_element_type3A, %broadcast_in_dim3A_31 : vector<2048x64xi1>, vector<2048x64xf32>
    %reduce_min3A_33 = arith.constant dense<0x7F800000> : vector<2048xf32>
    %reduce_min3A_34 = vector.multi_reduction <minimumf>, %select_n3A_32, %reduce_min3A_33 [1] : vector<2048x64xf32> to vector<2048xf32>
    %broadcast_in_dim3A_35 = vector.shape_cast %reduce_min3A_34 : vector<2048xf32> to vector<2048x1xf32>
    %swap3A_36 = arith.constant 0 : index
    %swap3A_37 = arith.constant 0 : index
    %swap3A_38 = arith.constant 0 : index
    %swap3A_39 = vector.load %arg3[%swap3A_36, %swap3A_37, %swap3A_38] : memref<2x2048x1xf32, #tpu.memory_space<vmem>>, vector<1x2048x1xf32>
    %swap3A_40 = vector.shape_cast %swap3A_39 : vector<1x2048x1xf32> to vector<2048x1xf32>
    %swap3A_41 = vector.shape_cast %broadcast_in_dim3A_15 : vector<2048x1xf32> to vector<1x2048x1xf32>
    tpu.vector_store %arg3[%swap3A_36, %swap3A_37, %swap3A_38], %swap3A_41 {strides = array<i32>} : memref<2x2048x1xf32, #tpu.memory_space<vmem>>, vector<1x2048x1xf32>,
    %swap3A_42 = arith.constant 1 : index
    %swap3A_43 = arith.constant 0 : index
    %swap3A_44 = arith.constant 0 : index
    %swap3A_45 = vector.load %arg3[%swap3A_42, %swap3A_43, %swap3A_44] : memref<2x2048x1xf32, #tpu.memory_space<vmem>>, vector<1x2048x1xf32>
    %swap3A_46 = vector.shape_cast %swap3A_45 : vector<1x2048x1xf32> to vector<2048x1xf32>
    %swap3A_47 = vector.shape_cast %broadcast_in_dim3A_27 : vector<2048x1xf32> to vector<1x2048x1xf32>
    tpu.vector_store %arg3[%swap3A_42, %swap3A_43, %swap3A_44], %swap3A_47 {strides = array<i32>} : memref<2x2048x1xf32, #tpu.memory_space<vmem>>, vector<1x2048x1xf32>,
    %concatenate3A = tpu.concatenate %broadcast_in_dim3A_19, %broadcast_in_dim3A_35 in 0 : vector<2048x1xf32>, vector<2048x1xf32> -> vector<4096x1xf32>
    %iota3A_48 = tpu.iota {dimensions = array<i32: 1>} : vector<4096x128xi32>
    %convert_element_type3A_49 = arith.sitofp %iota3A_48 : vector<4096x128xi32> to vector<4096x128xf32>
    %eq3A_50 = vector.broadcast %concatenate3A : vector<4096x1xf32> to vector<4096x128xf32>
    %eq3A_51 = arith.cmpf oeq, %convert_element_type3A_49, %eq3A_50 : vector<4096x128xf32>
    %convert_element_type3A_52 = arith.extui %eq3A_51 : vector<4096x128xi1> to vector<4096x128xi32>
    %convert_element_type3A_53 = arith.sitofp %convert_element_type3A_52 : vector<4096x128xi32> to vector<4096x128xf32>
    %swap3A_54 = arith.constant 0 : index
    %swap3A_55 = arith.constant 0 : index
    %swap3A_56 = vector.load %arg7[%swap3A_54, %swap3A_55] : memref<4096x128xf32, #tpu.memory_space<vmem>>, vector<4096x128xf32>
    tpu.vector_store %arg7[%swap3A_54, %swap3A_55], %convert_element_type3A_53 {strides = array<i32>} : memref<4096x128xf32, #tpu.memory_space<vmem>>, vector<4096x128xf32>,
    %get3A_57 = arith.constant 0 : index
    %get3A_58 = arith.constant 0 : index
    %get3A_59 = vector.load %arg7[%get3A_57, %get3A_58] : memref<4096x128xf32, #tpu.memory_space<vmem>>, vector<4096x128xf32>
    %reduce_sum3A_60 = arith.constant dense<0.000000e+00> : vector<128xf32>
    %reduce_sum3A_61 = vector.multi_reduction <add>, %get3A_59, %reduce_sum3A_60 [0] : vector<4096x128xf32> to vector<128xf32>
    %broadcast_in_dim3A_62 = vector.shape_cast %reduce_sum3A_61 : vector<128xf32> to vector<1x128xf32>
    %add3A = arith.constant 9.500000e+01 : f32
    %add3A_63 = vector.broadcast %add3A : f32 to vector<1x128xf32>
    %add3A_64 = arith.addf %broadcast_in_dim3A_62, %add3A_63 : vector<1x128xf32>
    %div3A_65 = arith.constant 9.600000e+01 : f32
    %div3A_66 = vector.broadcast %div3A_65 : f32 to vector<1x128xf32>
    %div3A_67 = arith.divf %add3A_64, %div3A_66 : vector<1x128xf32>
    %floor3A = math.floor %div3A_67 : vector<1x128xf32>
    %iota3A_68 = tpu.iota {dimensions = array<i32: 0>} : vector<128x128xi32>
    %convert_element_type3A_69 = arith.sitofp %iota3A_68 : vector<128x128xi32> to vector<128x128xf32>
    %iota3A_70 = tpu.iota {dimensions = array<i32: 1>} : vector<128x128xi32>
    %convert_element_type3A_71 = arith.sitofp %iota3A_70 : vector<128x128xi32> to vector<128x128xf32>
    %le3A = arith.cmpf ole, %convert_element_type3A_69, %convert_element_type3A_71 : vector<128x128xf32>
    %convert_element_type3A_72 = arith.extui %le3A : vector<128x128xi1> to vector<128x128xi32>
    %convert_element_type3A_73 = arith.sitofp %convert_element_type3A_72 : vector<128x128xi32> to vector<128x128xf32>
    %dot_general3A_74 = arith.constant dense<0.000000e+00> : vector<1x128xf32>
    %dot_general3A_75 = tpu.matmul %floor3A, %convert_element_type3A_73, %dot_general3A_74 {dimension_numbers = #tpu.dot_dimension_numbers<[1], [0], [0], [1], [0, 0, 1, 1], [], []>, transpose_lhs_hint = false} : vector<1x128xf32>, vector<128x128xf32>, vector<1x128xf32> -> vector<1x128xf32>
    %sub3A_76 = arith.subf %dot_general3A_75, %floor3A : vector<1x128xf32>
    %mul3A = arith.constant 9.600000e+01 : f32
    %mul3A_77 = vector.broadcast %mul3A : f32 to vector<1x128xf32>
    %mul3A_78 = arith.mulf %sub3A_76, %mul3A_77 : vector<1x128xf32>
    %iota3A_79 = tpu.iota {dimensions = array<i32: 0>} : vector<256x256xi32>
    %convert_element_type3A_80 = arith.sitofp %iota3A_79 : vector<256x256xi32> to vector<256x256xf32>
    %iota3A_81 = tpu.iota {dimensions = array<i32: 1>} : vector<256x256xi32>
    %convert_element_type3A_82 = arith.sitofp %iota3A_81 : vector<256x256xi32> to vector<256x256xf32>
    %lt3A = arith.cmpf olt, %convert_element_type3A_82, %convert_element_type3A_80 : vector<256x256xf32>
    %convert_element_type3A_83 = arith.extui %lt3A : vector<256x256xi1> to vector<256x256xi32>
    %convert_element_type3A_84 = arith.sitofp %convert_element_type3A_83 : vector<256x256xi32> to vector<256x256xf32>
    %broadcast_in_dim3A_85 = arith.constant 0.000000e+00 : f32
    %broadcast_in_dim3A_86 = vector.broadcast %broadcast_in_dim3A_85 : f32 to vector<1x128xf32>
    %get3A_87 = arith.constant 0 : index
    %get3A_88 = arith.constant 0 : index
    %get3A_89 = vector.load %arg7[%get3A_87, %get3A_88] : memref<4096x128xf32, #tpu.memory_space<vmem>>, vector<256x128xf32>
    %dot_general3A_90 = arith.constant dense<0.000000e+00> : vector<256x128xf32>
    %dot_general3A_91 = tpu.matmul %convert_element_type3A_84, %get3A_89, %dot_general3A_90 {dimension_numbers = #tpu.dot_dimension_numbers<[1], [0], [0], [1], [0, 0, 1, 1], [], []>, transpose_lhs_hint = false} : vector<256x256xf32>, vector<256x128xf32>, vector<256x128xf32> -> vector<256x128xf32>
    %add3A_92 = vector.broadcast %broadcast_in_dim3A_86 : vector<1x128xf32> to vector<256x128xf32>
    %add3A_93 = arith.addf %dot_general3A_91, %add3A_92 : vector<256x128xf32>
    %add3A_94 = vector.broadcast %mul3A_78 : vector<1x128xf32> to vector<256x128xf32>
    %add3A_95 = arith.addf %add3A_93, %add3A_94 : vector<256x128xf32>
    %mul3A_96 = arith.mulf %add3A_95, %get3A_89 : vector<256x128xf32>
    %reduce_sum3A_97 = arith.constant dense<0.000000e+00> : vector<256xf32>
    %reduce_sum3A_98 = vector.multi_reduction <add>, %mul3A_96, %reduce_sum3A_97 [1] : vector<256x128xf32> to vector<256xf32>
    %broadcast_in_dim3A_99 = vector.shape_cast %reduce_sum3A_98 : vector<256xf32> to vector<256x1xf32>
    %convert_element_type3A_100 = arith.fptosi %broadcast_in_dim3A_99 : vector<256x1xf32> to vector<256x1xi32>
    %swap3A_101 = arith.constant 0 : index
    %swap3A_102 = arith.constant 0 : index
    %swap3A_103 = vector.load %arg4[%swap3A_101, %swap3A_102] : memref<4096x1xi32, #tpu.memory_space<vmem>>, vector<256x1xi32>
    tpu.vector_store %arg4[%swap3A_101, %swap3A_102], %convert_element_type3A_100 {strides = array<i32>} : memref<4096x1xi32, #tpu.memory_space<vmem>>, vector<256x1xi32>,
    %reduce_sum3A_104 = arith.constant dense<0.000000e+00> : vector<128xf32>
    %reduce_sum3A_105 = vector.multi_reduction <add>, %get3A_89, %reduce_sum3A_104 [0] : vector<256x128xf32> to vector<128xf32>
    %broadcast_in_dim3A_106 = vector.shape_cast %reduce_sum3A_105 : vector<128xf32> to vector<1x128xf32>
    %add3A_107 = arith.addf %broadcast_in_dim3A_86, %broadcast_in_dim3A_106 : vector<1x128xf32>
    %get3A_108 = arith.constant 256 : index
    %get3A_109 = arith.constant 0 : index
    %get3A_110 = vector.load %arg7[%get3A_108, %get3A_109] : memref<4096x128xf32, #tpu.memory_space<vmem>>, vector<256x128xf32>
    %dot_general3A_111 = arith.constant dense<0.000000e+00> : vector<256x128xf32>
    %dot_general3A_112 = tpu.matmul %convert_element_type3A_84, %get3A_110, %dot_general3A_111 {dimension_numbers = #tpu.dot_dimension_numbers<[1], [0], [0], [1], [0, 0, 1, 1], [], []>, transpose_lhs_hint = false} : vector<256x256xf32>, vector<256x128xf32>, vector<256x128xf32> -> vector<256x128xf32>
    %add3A_113 = vector.broadcast %add3A_107 : vector<1x128xf32> to vector<256x128xf32>
    %add3A_114 = arith.addf %dot_general3A_112, %add3A_113 : vector<256x128xf32>
    %add3A_115 = vector.broadcast %mul3A_78 : vector<1x128xf32> to vector<256x128xf32>
    %add3A_116 = arith.addf %add3A_114, %add3A_115 : vector<256x128xf32>
    %mul3A_117 = arith.mulf %add3A_116, %get3A_110 : vector<256x128xf32>
    %reduce_sum3A_118 = arith.constant dense<0.000000e+00> : vector<256xf32>
    %reduce_sum3A_119 = vector.multi_reduction <add>, %mul3A_117, %reduce_sum3A_118 [1] : vector<256x128xf32> to vector<256xf32>
    %broadcast_in_dim3A_120 = vector.shape_cast %reduce_sum3A_119 : vector<256xf32> to vector<256x1xf32>
    %convert_element_type3A_121 = arith.fptosi %broadcast_in_dim3A_120 : vector<256x1xf32> to vector<256x1xi32>
    %swap3A_122 = arith.constant 256 : index
    %swap3A_123 = arith.constant 0 : index
    %swap3A_124 = vector.load %arg4[%swap3A_122, %swap3A_123] : memref<4096x1xi32, #tpu.memory_space<vmem>>, vector<256x1xi32>
    tpu.vector_store %arg4[%swap3A_122, %swap3A_123], %convert_element_type3A_121 {strides = array<i32>} : memref<4096x1xi32, #tpu.memory_space<vmem>>, vector<256x1xi32>,
    %reduce_sum3A_125 = arith.constant dense<0.000000e+00> : vector<128xf32>
    %reduce_sum3A_126 = vector.multi_reduction <add>, %get3A_110, %reduce_sum3A_125 [0] : vector<256x128xf32> to vector<128xf32>
    %broadcast_in_dim3A_127 = vector.shape_cast %reduce_sum3A_126 : vector<128xf32> to vector<1x128xf32>
    %add3A_128 = arith.addf %add3A_107, %broadcast_in_dim3A_127 : vector<1x128xf32>
    %get3A_129 = arith.constant 512 : index
    %get3A_130 = arith.constant 0 : index
    %get3A_131 = vector.load %arg7[%get3A_129, %get3A_130] : memref<4096x128xf32, #tpu.memory_space<vmem>>, vector<256x128xf32>
    %dot_general3A_132 = arith.constant dense<0.000000e+00> : vector<256x128xf32>
    %dot_general3A_133 = tpu.matmul %convert_element_type3A_84, %get3A_131, %dot_general3A_132 {dimension_numbers = #tpu.dot_dimension_numbers<[1], [0], [0], [1], [0, 0, 1, 1], [], []>, transpose_lhs_hint = false} : vector<256x256xf32>, vector<256x128xf32>, vector<256x128xf32> -> vector<256x128xf32>
    %add3A_134 = vector.broadcast %add3A_128 : vector<1x128xf32> to vector<256x128xf32>
    %add3A_135 = arith.addf %dot_general3A_133, %add3A_134 : vector<256x128xf32>
    %add3A_136 = vector.broadcast %mul3A_78 : vector<1x128xf32> to vector<256x128xf32>
    %add3A_137 = arith.addf %add3A_135, %add3A_136 : vector<256x128xf32>
    %mul3A_138 = arith.mulf %add3A_137, %get3A_131 : vector<256x128xf32>
    %reduce_sum3A_139 = arith.constant dense<0.000000e+00> : vector<256xf32>
    %reduce_sum3A_140 = vector.multi_reduction <add>, %mul3A_138, %reduce_sum3A_139 [1] : vector<256x128xf32> to vector<256xf32>
    %broadcast_in_dim3A_141 = vector.shape_cast %reduce_sum3A_140 : vector<256xf32> to vector<256x1xf32>
    %convert_element_type3A_142 = arith.fptosi %broadcast_in_dim3A_141 : vector<256x1xf32> to vector<256x1xi32>
    %swap3A_143 = arith.constant 512 : index
    %swap3A_144 = arith.constant 0 : index
    %swap3A_145 = vector.load %arg4[%swap3A_143, %swap3A_144] : memref<4096x1xi32, #tpu.memory_space<vmem>>, vector<256x1xi32>
    tpu.vector_store %arg4[%swap3A_143, %swap3A_144], %convert_element_type3A_142 {strides = array<i32>} : memref<4096x1xi32, #tpu.memory_space<vmem>>, vector<256x1xi32>,
    %reduce_sum3A_146 = arith.constant dense<0.000000e+00> : vector<128xf32>
    %reduce_sum3A_147 = vector.multi_reduction <add>, %get3A_131, %reduce_sum3A_146 [0] : vector<256x128xf32> to vector<128xf32>
    %broadcast_in_dim3A_148 = vector.shape_cast %reduce_sum3A_147 : vector<128xf32> to vector<1x128xf32>
    %add3A_149 = arith.addf %add3A_128, %broadcast_in_dim3A_148 : vector<1x128xf32>
    %get3A_150 = arith.constant 768 : index
    %get3A_151 = arith.constant 0 : index
    %get3A_152 = vector.load %arg7[%get3A_150, %get3A_151] : memref<4096x128xf32, #tpu.memory_space<vmem>>, vector<256x128xf32>
    %dot_general3A_153 = arith.constant dense<0.000000e+00> : vector<256x128xf32>
    %dot_general3A_154 = tpu.matmul %convert_element_type3A_84, %get3A_152, %dot_general3A_153 {dimension_numbers = #tpu.dot_dimension_numbers<[1], [0], [0], [1], [0, 0, 1, 1], [], []>, transpose_lhs_hint = false} : vector<256x256xf32>, vector<256x128xf32>, vector<256x128xf32> -> vector<256x128xf32>
    %add3A_155 = vector.broadcast %add3A_149 : vector<1x128xf32> to vector<256x128xf32>
    %add3A_156 = arith.addf %dot_general3A_154, %add3A_155 : vector<256x128xf32>
    %add3A_157 = vector.broadcast %mul3A_78 : vector<1x128xf32> to vector<256x128xf32>
    %add3A_158 = arith.addf %add3A_156, %add3A_157 : vector<256x128xf32>
    %mul3A_159 = arith.mulf %add3A_158, %get3A_152 : vector<256x128xf32>
    %reduce_sum3A_160 = arith.constant dense<0.000000e+00> : vector<256xf32>
    %reduce_sum3A_161 = vector.multi_reduction <add>, %mul3A_159, %reduce_sum3A_160 [1] : vector<256x128xf32> to vector<256xf32>
    %broadcast_in_dim3A_162 = vector.shape_cast %reduce_sum3A_161 : vector<256xf32> to vector<256x1xf32>
    %convert_element_type3A_163 = arith.fptosi %broadcast_in_dim3A_162 : vector<256x1xf32> to vector<256x1xi32>
    %swap3A_164 = arith.constant 768 : index
    %swap3A_165 = arith.constant 0 : index
    %swap3A_166 = vector.load %arg4[%swap3A_164, %swap3A_165] : memref<4096x1xi32, #tpu.memory_space<vmem>>, vector<256x1xi32>
    tpu.vector_store %arg4[%swap3A_164, %swap3A_165], %convert_element_type3A_163 {strides = array<i32>} : memref<4096x1xi32, #tpu.memory_space<vmem>>, vector<256x1xi32>,
    %reduce_sum3A_167 = arith.constant dense<0.000000e+00> : vector<128xf32>
    %reduce_sum3A_168 = vector.multi_reduction <add>, %get3A_152, %reduce_sum3A_167 [0] : vector<256x128xf32> to vector<128xf32>
    %broadcast_in_dim3A_169 = vector.shape_cast %reduce_sum3A_168 : vector<128xf32> to vector<1x128xf32>
    %add3A_170 = arith.addf %add3A_149, %broadcast_in_dim3A_169 : vector<1x128xf32>
    %get3A_171 = arith.constant 1024 : index
    %get3A_172 = arith.constant 0 : index
    %get3A_173 = vector.load %arg7[%get3A_171, %get3A_172] : memref<4096x128xf32, #tpu.memory_space<vmem>>, vector<256x128xf32>
    %dot_general3A_174 = arith.constant dense<0.000000e+00> : vector<256x128xf32>
    %dot_general3A_175 = tpu.matmul %convert_element_type3A_84, %get3A_173, %dot_general3A_174 {dimension_numbers = #tpu.dot_dimension_numbers<[1], [0], [0], [1], [0, 0, 1, 1], [], []>, transpose_lhs_hint = false} : vector<256x256xf32>, vector<256x128xf32>, vector<256x128xf32> -> vector<256x128xf32>
    %add3A_176 = vector.broadcast %add3A_170 : vector<1x128xf32> to vector<256x128xf32>
    %add3A_177 = arith.addf %dot_general3A_175, %add3A_176 : vector<256x128xf32>
    %add3A_178 = vector.broadcast %mul3A_78 : vector<1x128xf32> to vector<256x128xf32>
    %add3A_179 = arith.addf %add3A_177, %add3A_178 : vector<256x128xf32>
    %mul3A_180 = arith.mulf %add3A_179, %get3A_173 : vector<256x128xf32>
    %reduce_sum3A_181 = arith.constant dense<0.000000e+00> : vector<256xf32>
    %reduce_sum3A_182 = vector.multi_reduction <add>, %mul3A_180, %reduce_sum3A_181 [1] : vector<256x128xf32> to vector<256xf32>
    %broadcast_in_dim3A_183 = vector.shape_cast %reduce_sum3A_182 : vector<256xf32> to vector<256x1xf32>
    %convert_element_type3A_184 = arith.fptosi %broadcast_in_dim3A_183 : vector<256x1xf32> to vector<256x1xi32>
    %swap3A_185 = arith.constant 1024 : index
    %swap3A_186 = arith.constant 0 : index
    %swap3A_187 = vector.load %arg4[%swap3A_185, %swap3A_186] : memref<4096x1xi32, #tpu.memory_space<vmem>>, vector<256x1xi32>
    tpu.vector_store %arg4[%swap3A_185, %swap3A_186], %convert_element_type3A_184 {strides = array<i32>} : memref<4096x1xi32, #tpu.memory_space<vmem>>, vector<256x1xi32>,
    %reduce_sum3A_188 = arith.constant dense<0.000000e+00> : vector<128xf32>
    %reduce_sum3A_189 = vector.multi_reduction <add>, %get3A_173, %reduce_sum3A_188 [0] : vector<256x128xf32> to vector<128xf32>
    %broadcast_in_dim3A_190 = vector.shape_cast %reduce_sum3A_189 : vector<128xf32> to vector<1x128xf32>
    %add3A_191 = arith.addf %add3A_170, %broadcast_in_dim3A_190 : vector<1x128xf32>
    %get3A_192 = arith.constant 1280 : index
    %get3A_193 = arith.constant 0 : index
    %get3A_194 = vector.load %arg7[%get3A_192, %get3A_193] : memref<4096x128xf32, #tpu.memory_space<vmem>>, vector<256x128xf32>
    %dot_general3A_195 = arith.constant dense<0.000000e+00> : vector<256x128xf32>
    %dot_general3A_196 = tpu.matmul %convert_element_type3A_84, %get3A_194, %dot_general3A_195 {dimension_numbers = #tpu.dot_dimension_numbers<[1], [0], [0], [1], [0, 0, 1, 1], [], []>, transpose_lhs_hint = false} : vector<256x256xf32>, vector<256x128xf32>, vector<256x128xf32> -> vector<256x128xf32>
    %add3A_197 = vector.broadcast %add3A_191 : vector<1x128xf32> to vector<256x128xf32>
    %add3A_198 = arith.addf %dot_general3A_196, %add3A_197 : vector<256x128xf32>
    %add3A_199 = vector.broadcast %mul3A_78 : vector<1x128xf32> to vector<256x128xf32>
    %add3A_200 = arith.addf %add3A_198, %add3A_199 : vector<256x128xf32>
    %mul3A_201 = arith.mulf %add3A_200, %get3A_194 : vector<256x128xf32>
    %reduce_sum3A_202 = arith.constant dense<0.000000e+00> : vector<256xf32>
    %reduce_sum3A_203 = vector.multi_reduction <add>, %mul3A_201, %reduce_sum3A_202 [1] : vector<256x128xf32> to vector<256xf32>
    %broadcast_in_dim3A_204 = vector.shape_cast %reduce_sum3A_203 : vector<256xf32> to vector<256x1xf32>
    %convert_element_type3A_205 = arith.fptosi %broadcast_in_dim3A_204 : vector<256x1xf32> to vector<256x1xi32>
    %swap3A_206 = arith.constant 1280 : index
    %swap3A_207 = arith.constant 0 : index
    %swap3A_208 = vector.load %arg4[%swap3A_206, %swap3A_207] : memref<4096x1xi32, #tpu.memory_space<vmem>>, vector<256x1xi32>
    tpu.vector_store %arg4[%swap3A_206, %swap3A_207], %convert_element_type3A_205 {strides = array<i32>} : memref<4096x1xi32, #tpu.memory_space<vmem>>, vector<256x1xi32>,
    %reduce_sum3A_209 = arith.constant dense<0.000000e+00> : vector<128xf32>
    %reduce_sum3A_210 = vector.multi_reduction <add>, %get3A_194, %reduce_sum3A_209 [0] : vector<256x128xf32> to vector<128xf32>
    %broadcast_in_dim3A_211 = vector.shape_cast %reduce_sum3A_210 : vector<128xf32> to vector<1x128xf32>
    %add3A_212 = arith.addf %add3A_191, %broadcast_in_dim3A_211 : vector<1x128xf32>
    %get3A_213 = arith.constant 1536 : index
    %get3A_214 = arith.constant 0 : index
    %get3A_215 = vector.load %arg7[%get3A_213, %get3A_214] : memref<4096x128xf32, #tpu.memory_space<vmem>>, vector<256x128xf32>
    %dot_general3A_216 = arith.constant dense<0.000000e+00> : vector<256x128xf32>
    %dot_general3A_217 = tpu.matmul %convert_element_type3A_84, %get3A_215, %dot_general3A_216 {dimension_numbers = #tpu.dot_dimension_numbers<[1], [0], [0], [1], [0, 0, 1, 1], [], []>, transpose_lhs_hint = false} : vector<256x256xf32>, vector<256x128xf32>, vector<256x128xf32> -> vector<256x128xf32>
    %add3A_218 = vector.broadcast %add3A_212 : vector<1x128xf32> to vector<256x128xf32>
    %add3A_219 = arith.addf %dot_general3A_217, %add3A_218 : vector<256x128xf32>
    %add3A_220 = vector.broadcast %mul3A_78 : vector<1x128xf32> to vector<256x128xf32>
    %add3A_221 = arith.addf %add3A_219, %add3A_220 : vector<256x128xf32>
    %mul3A_222 = arith.mulf %add3A_221, %get3A_215 : vector<256x128xf32>
    %reduce_sum3A_223 = arith.constant dense<0.000000e+00> : vector<256xf32>
    %reduce_sum3A_224 = vector.multi_reduction <add>, %mul3A_222, %reduce_sum3A_223 [1] : vector<256x128xf32> to vector<256xf32>
    %broadcast_in_dim3A_225 = vector.shape_cast %reduce_sum3A_224 : vector<256xf32> to vector<256x1xf32>
    %convert_element_type3A_226 = arith.fptosi %broadcast_in_dim3A_225 : vector<256x1xf32> to vector<256x1xi32>
    %swap3A_227 = arith.constant 1536 : index
    %swap3A_228 = arith.constant 0 : index
    %swap3A_229 = vector.load %arg4[%swap3A_227, %swap3A_228] : memref<4096x1xi32, #tpu.memory_space<vmem>>, vector<256x1xi32>
    tpu.vector_store %arg4[%swap3A_227, %swap3A_228], %convert_element_type3A_226 {strides = array<i32>} : memref<4096x1xi32, #tpu.memory_space<vmem>>, vector<256x1xi32>,
    %reduce_sum3A_230 = arith.constant dense<0.000000e+00> : vector<128xf32>
    %reduce_sum3A_231 = vector.multi_reduction <add>, %get3A_215, %reduce_sum3A_230 [0] : vector<256x128xf32> to vector<128xf32>
    %broadcast_in_dim3A_232 = vector.shape_cast %reduce_sum3A_231 : vector<128xf32> to vector<1x128xf32>
    %add3A_233 = arith.addf %add3A_212, %broadcast_in_dim3A_232 : vector<1x128xf32>
    %get3A_234 = arith.constant 1792 : index
    %get3A_235 = arith.constant 0 : index
    %get3A_236 = vector.load %arg7[%get3A_234, %get3A_235] : memref<4096x128xf32, #tpu.memory_space<vmem>>, vector<256x128xf32>
    %dot_general3A_237 = arith.constant dense<0.000000e+00> : vector<256x128xf32>
    %dot_general3A_238 = tpu.matmul %convert_element_type3A_84, %get3A_236, %dot_general3A_237 {dimension_numbers = #tpu.dot_dimension_numbers<[1], [0], [0], [1], [0, 0, 1, 1], [], []>, transpose_lhs_hint = false} : vector<256x256xf32>, vector<256x128xf32>, vector<256x128xf32> -> vector<256x128xf32>
    %add3A_239 = vector.broadcast %add3A_233 : vector<1x128xf32> to vector<256x128xf32>
    %add3A_240 = arith.addf %dot_general3A_238, %add3A_239 : vector<256x128xf32>
    %add3A_241 = vector.broadcast %mul3A_78 : vector<1x128xf32> to vector<256x128xf32>
    %add3A_242 = arith.addf %add3A_240, %add3A_241 : vector<256x128xf32>
    %mul3A_243 = arith.mulf %add3A_242, %get3A_236 : vector<256x128xf32>
    %reduce_sum3A_244 = arith.constant dense<0.000000e+00> : vector<256xf32>
    %reduce_sum3A_245 = vector.multi_reduction <add>, %mul3A_243, %reduce_sum3A_244 [1] : vector<256x128xf32> to vector<256xf32>
    %broadcast_in_dim3A_246 = vector.shape_cast %reduce_sum3A_245 : vector<256xf32> to vector<256x1xf32>
    %convert_element_type3A_247 = arith.fptosi %broadcast_in_dim3A_246 : vector<256x1xf32> to vector<256x1xi32>
    %swap3A_248 = arith.constant 1792 : index
    %swap3A_249 = arith.constant 0 : index
    %swap3A_250 = vector.load %arg4[%swap3A_248, %swap3A_249] : memref<4096x1xi32, #tpu.memory_space<vmem>>, vector<256x1xi32>
    tpu.vector_store %arg4[%swap3A_248, %swap3A_249], %convert_element_type3A_247 {strides = array<i32>} : memref<4096x1xi32, #tpu.memory_space<vmem>>, vector<256x1xi32>,
    %reduce_sum3A_251 = arith.constant dense<0.000000e+00> : vector<128xf32>
    %reduce_sum3A_252 = vector.multi_reduction <add>, %get3A_236, %reduce_sum3A_251 [0] : vector<256x128xf32> to vector<128xf32>
    %broadcast_in_dim3A_253 = vector.shape_cast %reduce_sum3A_252 : vector<128xf32> to vector<1x128xf32>
    %add3A_254 = arith.addf %add3A_233, %broadcast_in_dim3A_253 : vector<1x128xf32>
    %get3A_255 = arith.constant 2048 : index
    %get3A_256 = arith.constant 0 : index
    %get3A_257 = vector.load %arg7[%get3A_255, %get3A_256] : memref<4096x128xf32, #tpu.memory_space<vmem>>, vector<256x128xf32>
    %dot_general3A_258 = arith.constant dense<0.000000e+00> : vector<256x128xf32>
    %dot_general3A_259 = tpu.matmul %convert_element_type3A_84, %get3A_257, %dot_general3A_258 {dimension_numbers = #tpu.dot_dimension_numbers<[1], [0], [0], [1], [0, 0, 1, 1], [], []>, transpose_lhs_hint = false} : vector<256x256xf32>, vector<256x128xf32>, vector<256x128xf32> -> vector<256x128xf32>
    %add3A_260 = vector.broadcast %add3A_254 : vector<1x128xf32> to vector<256x128xf32>
    %add3A_261 = arith.addf %dot_general3A_259, %add3A_260 : vector<256x128xf32>
    %add3A_262 = vector.broadcast %mul3A_78 : vector<1x128xf32> to vector<256x128xf32>
    %add3A_263 = arith.addf %add3A_261, %add3A_262 : vector<256x128xf32>
    %mul3A_264 = arith.mulf %add3A_263, %get3A_257 : vector<256x128xf32>
    %reduce_sum3A_265 = arith.constant dense<0.000000e+00> : vector<256xf32>
    %reduce_sum3A_266 = vector.multi_reduction <add>, %mul3A_264, %reduce_sum3A_265 [1] : vector<256x128xf32> to vector<256xf32>
    %broadcast_in_dim3A_267 = vector.shape_cast %reduce_sum3A_266 : vector<256xf32> to vector<256x1xf32>
    %convert_element_type3A_268 = arith.fptosi %broadcast_in_dim3A_267 : vector<256x1xf32> to vector<256x1xi32>
    %swap3A_269 = arith.constant 2048 : index
    %swap3A_270 = arith.constant 0 : index
    %swap3A_271 = vector.load %arg4[%swap3A_269, %swap3A_270] : memref<4096x1xi32, #tpu.memory_space<vmem>>, vector<256x1xi32>
    tpu.vector_store %arg4[%swap3A_269, %swap3A_270], %convert_element_type3A_268 {strides = array<i32>} : memref<4096x1xi32, #tpu.memory_space<vmem>>, vector<256x1xi32>,
    %reduce_sum3A_272 = arith.constant dense<0.000000e+00> : vector<128xf32>
    %reduce_sum3A_273 = vector.multi_reduction <add>, %get3A_257, %reduce_sum3A_272 [0] : vector<256x128xf32> to vector<128xf32>
    %broadcast_in_dim3A_274 = vector.shape_cast %reduce_sum3A_273 : vector<128xf32> to vector<1x128xf32>
    %add3A_275 = arith.addf %add3A_254, %broadcast_in_dim3A_274 : vector<1x128xf32>
    %get3A_276 = arith.constant 2304 : index
    %get3A_277 = arith.constant 0 : index
    %get3A_278 = vector.load %arg7[%get3A_276, %get3A_277] : memref<4096x128xf32, #tpu.memory_space<vmem>>, vector<256x128xf32>
    %dot_general3A_279 = arith.constant dense<0.000000e+00> : vector<256x128xf32>
    %dot_general3A_280 = tpu.matmul %convert_element_type3A_84, %get3A_278, %dot_general3A_279 {dimension_numbers = #tpu.dot_dimension_numbers<[1], [0], [0], [1], [0, 0, 1, 1], [], []>, transpose_lhs_hint = false} : vector<256x256xf32>, vector<256x128xf32>, vector<256x128xf32> -> vector<256x128xf32>
    %add3A_281 = vector.broadcast %add3A_275 : vector<1x128xf32> to vector<256x128xf32>
    %add3A_282 = arith.addf %dot_general3A_280, %add3A_281 : vector<256x128xf32>
    %add3A_283 = vector.broadcast %mul3A_78 : vector<1x128xf32> to vector<256x128xf32>
    %add3A_284 = arith.addf %add3A_282, %add3A_283 : vector<256x128xf32>
    %mul3A_285 = arith.mulf %add3A_284, %get3A_278 : vector<256x128xf32>
    %reduce_sum3A_286 = arith.constant dense<0.000000e+00> : vector<256xf32>
    %reduce_sum3A_287 = vector.multi_reduction <add>, %mul3A_285, %reduce_sum3A_286 [1] : vector<256x128xf32> to vector<256xf32>
    %broadcast_in_dim3A_288 = vector.shape_cast %reduce_sum3A_287 : vector<256xf32> to vector<256x1xf32>
    %convert_element_type3A_289 = arith.fptosi %broadcast_in_dim3A_288 : vector<256x1xf32> to vector<256x1xi32>
    %swap3A_290 = arith.constant 2304 : index
    %swap3A_291 = arith.constant 0 : index
    %swap3A_292 = vector.load %arg4[%swap3A_290, %swap3A_291] : memref<4096x1xi32, #tpu.memory_space<vmem>>, vector<256x1xi32>
    tpu.vector_store %arg4[%swap3A_290, %swap3A_291], %convert_element_type3A_289 {strides = array<i32>} : memref<4096x1xi32, #tpu.memory_space<vmem>>, vector<256x1xi32>,
    %reduce_sum3A_293 = arith.constant dense<0.000000e+00> : vector<128xf32>
    %reduce_sum3A_294 = vector.multi_reduction <add>, %get3A_278, %reduce_sum3A_293 [0] : vector<256x128xf32> to vector<128xf32>
    %broadcast_in_dim3A_295 = vector.shape_cast %reduce_sum3A_294 : vector<128xf32> to vector<1x128xf32>
    %add3A_296 = arith.addf %add3A_275, %broadcast_in_dim3A_295 : vector<1x128xf32>
    %get3A_297 = arith.constant 2560 : index
    %get3A_298 = arith.constant 0 : index
    %get3A_299 = vector.load %arg7[%get3A_297, %get3A_298] : memref<4096x128xf32, #tpu.memory_space<vmem>>, vector<256x128xf32>
    %dot_general3A_300 = arith.constant dense<0.000000e+00> : vector<256x128xf32>
    %dot_general3A_301 = tpu.matmul %convert_element_type3A_84, %get3A_299, %dot_general3A_300 {dimension_numbers = #tpu.dot_dimension_numbers<[1], [0], [0], [1], [0, 0, 1, 1], [], []>, transpose_lhs_hint = false} : vector<256x256xf32>, vector<256x128xf32>, vector<256x128xf32> -> vector<256x128xf32>
    %add3A_302 = vector.broadcast %add3A_296 : vector<1x128xf32> to vector<256x128xf32>
    %add3A_303 = arith.addf %dot_general3A_301, %add3A_302 : vector<256x128xf32>
    %add3A_304 = vector.broadcast %mul3A_78 : vector<1x128xf32> to vector<256x128xf32>
    %add3A_305 = arith.addf %add3A_303, %add3A_304 : vector<256x128xf32>
    %mul3A_306 = arith.mulf %add3A_305, %get3A_299 : vector<256x128xf32>
    %reduce_sum3A_307 = arith.constant dense<0.000000e+00> : vector<256xf32>
    %reduce_sum3A_308 = vector.multi_reduction <add>, %mul3A_306, %reduce_sum3A_307 [1] : vector<256x128xf32> to vector<256xf32>
    %broadcast_in_dim3A_309 = vector.shape_cast %reduce_sum3A_308 : vector<256xf32> to vector<256x1xf32>
    %convert_element_type3A_310 = arith.fptosi %broadcast_in_dim3A_309 : vector<256x1xf32> to vector<256x1xi32>
    %swap3A_311 = arith.constant 2560 : index
    %swap3A_312 = arith.constant 0 : index
    %swap3A_313 = vector.load %arg4[%swap3A_311, %swap3A_312] : memref<4096x1xi32, #tpu.memory_space<vmem>>, vector<256x1xi32>
    tpu.vector_store %arg4[%swap3A_311, %swap3A_312], %convert_element_type3A_310 {strides = array<i32>} : memref<4096x1xi32, #tpu.memory_space<vmem>>, vector<256x1xi32>,
    %reduce_sum3A_314 = arith.constant dense<0.000000e+00> : vector<128xf32>
    %reduce_sum3A_315 = vector.multi_reduction <add>, %get3A_299, %reduce_sum3A_314 [0] : vector<256x128xf32> to vector<128xf32>
    %broadcast_in_dim3A_316 = vector.shape_cast %reduce_sum3A_315 : vector<128xf32> to vector<1x128xf32>
    %add3A_317 = arith.addf %add3A_296, %broadcast_in_dim3A_316 : vector<1x128xf32>
    %get3A_318 = arith.constant 2816 : index
    %get3A_319 = arith.constant 0 : index
    %get3A_320 = vector.load %arg7[%get3A_318, %get3A_319] : memref<4096x128xf32, #tpu.memory_space<vmem>>, vector<256x128xf32>
    %dot_general3A_321 = arith.constant dense<0.000000e+00> : vector<256x128xf32>
    %dot_general3A_322 = tpu.matmul %convert_element_type3A_84, %get3A_320, %dot_general3A_321 {dimension_numbers = #tpu.dot_dimension_numbers<[1], [0], [0], [1], [0, 0, 1, 1], [], []>, transpose_lhs_hint = false} : vector<256x256xf32>, vector<256x128xf32>, vector<256x128xf32> -> vector<256x128xf32>
    %add3A_323 = vector.broadcast %add3A_317 : vector<1x128xf32> to vector<256x128xf32>
    %add3A_324 = arith.addf %dot_general3A_322, %add3A_323 : vector<256x128xf32>
    %add3A_325 = vector.broadcast %mul3A_78 : vector<1x128xf32> to vector<256x128xf32>
    %add3A_326 = arith.addf %add3A_324, %add3A_325 : vector<256x128xf32>
    %mul3A_327 = arith.mulf %add3A_326, %get3A_320 : vector<256x128xf32>
    %reduce_sum3A_328 = arith.constant dense<0.000000e+00> : vector<256xf32>
    %reduce_sum3A_329 = vector.multi_reduction <add>, %mul3A_327, %reduce_sum3A_328 [1] : vector<256x128xf32> to vector<256xf32>
    %broadcast_in_dim3A_330 = vector.shape_cast %reduce_sum3A_329 : vector<256xf32> to vector<256x1xf32>
    %convert_element_type3A_331 = arith.fptosi %broadcast_in_dim3A_330 : vector<256x1xf32> to vector<256x1xi32>
    %swap3A_332 = arith.constant 2816 : index
    %swap3A_333 = arith.constant 0 : index
    %swap3A_334 = vector.load %arg4[%swap3A_332, %swap3A_333] : memref<4096x1xi32, #tpu.memory_space<vmem>>, vector<256x1xi32>
    tpu.vector_store %arg4[%swap3A_332, %swap3A_333], %convert_element_type3A_331 {strides = array<i32>} : memref<4096x1xi32, #tpu.memory_space<vmem>>, vector<256x1xi32>,
    %reduce_sum3A_335 = arith.constant dense<0.000000e+00> : vector<128xf32>
    %reduce_sum3A_336 = vector.multi_reduction <add>, %get3A_320, %reduce_sum3A_335 [0] : vector<256x128xf32> to vector<128xf32>
    %broadcast_in_dim3A_337 = vector.shape_cast %reduce_sum3A_336 : vector<128xf32> to vector<1x128xf32>
    %add3A_338 = arith.addf %add3A_317, %broadcast_in_dim3A_337 : vector<1x128xf32>
    %get3A_339 = arith.constant 3072 : index
    %get3A_340 = arith.constant 0 : index
    %get3A_341 = vector.load %arg7[%get3A_339, %get3A_340] : memref<4096x128xf32, #tpu.memory_space<vmem>>, vector<256x128xf32>
    %dot_general3A_342 = arith.constant dense<0.000000e+00> : vector<256x128xf32>
    %dot_general3A_343 = tpu.matmul %convert_element_type3A_84, %get3A_341, %dot_general3A_342 {dimension_numbers = #tpu.dot_dimension_numbers<[1], [0], [0], [1], [0, 0, 1, 1], [], []>, transpose_lhs_hint = false} : vector<256x256xf32>, vector<256x128xf32>, vector<256x128xf32> -> vector<256x128xf32>
    %add3A_344 = vector.broadcast %add3A_338 : vector<1x128xf32> to vector<256x128xf32>
    %add3A_345 = arith.addf %dot_general3A_343, %add3A_344 : vector<256x128xf32>
    %add3A_346 = vector.broadcast %mul3A_78 : vector<1x128xf32> to vector<256x128xf32>
    %add3A_347 = arith.addf %add3A_345, %add3A_346 : vector<256x128xf32>
    %mul3A_348 = arith.mulf %add3A_347, %get3A_341 : vector<256x128xf32>
    %reduce_sum3A_349 = arith.constant dense<0.000000e+00> : vector<256xf32>
    %reduce_sum3A_350 = vector.multi_reduction <add>, %mul3A_348, %reduce_sum3A_349 [1] : vector<256x128xf32> to vector<256xf32>
    %broadcast_in_dim3A_351 = vector.shape_cast %reduce_sum3A_350 : vector<256xf32> to vector<256x1xf32>
    %convert_element_type3A_352 = arith.fptosi %broadcast_in_dim3A_351 : vector<256x1xf32> to vector<256x1xi32>
    %swap3A_353 = arith.constant 3072 : index
    %swap3A_354 = arith.constant 0 : index
    %swap3A_355 = vector.load %arg4[%swap3A_353, %swap3A_354] : memref<4096x1xi32, #tpu.memory_space<vmem>>, vector<256x1xi32>
    tpu.vector_store %arg4[%swap3A_353, %swap3A_354], %convert_element_type3A_352 {strides = array<i32>} : memref<4096x1xi32, #tpu.memory_space<vmem>>, vector<256x1xi32>,
    %reduce_sum3A_356 = arith.constant dense<0.000000e+00> : vector<128xf32>
    %reduce_sum3A_357 = vector.multi_reduction <add>, %get3A_341, %reduce_sum3A_356 [0] : vector<256x128xf32> to vector<128xf32>
    %broadcast_in_dim3A_358 = vector.shape_cast %reduce_sum3A_357 : vector<128xf32> to vector<1x128xf32>
    %add3A_359 = arith.addf %add3A_338, %broadcast_in_dim3A_358 : vector<1x128xf32>
    %get3A_360 = arith.constant 3328 : index
    %get3A_361 = arith.constant 0 : index
    %get3A_362 = vector.load %arg7[%get3A_360, %get3A_361] : memref<4096x128xf32, #tpu.memory_space<vmem>>, vector<256x128xf32>
    %dot_general3A_363 = arith.constant dense<0.000000e+00> : vector<256x128xf32>
    %dot_general3A_364 = tpu.matmul %convert_element_type3A_84, %get3A_362, %dot_general3A_363 {dimension_numbers = #tpu.dot_dimension_numbers<[1], [0], [0], [1], [0, 0, 1, 1], [], []>, transpose_lhs_hint = false} : vector<256x256xf32>, vector<256x128xf32>, vector<256x128xf32> -> vector<256x128xf32>
    %add3A_365 = vector.broadcast %add3A_359 : vector<1x128xf32> to vector<256x128xf32>
    %add3A_366 = arith.addf %dot_general3A_364, %add3A_365 : vector<256x128xf32>
    %add3A_367 = vector.broadcast %mul3A_78 : vector<1x128xf32> to vector<256x128xf32>
    %add3A_368 = arith.addf %add3A_366, %add3A_367 : vector<256x128xf32>
    %mul3A_369 = arith.mulf %add3A_368, %get3A_362 : vector<256x128xf32>
    %reduce_sum3A_370 = arith.constant dense<0.000000e+00> : vector<256xf32>
    %reduce_sum3A_371 = vector.multi_reduction <add>, %mul3A_369, %reduce_sum3A_370 [1] : vector<256x128xf32> to vector<256xf32>
    %broadcast_in_dim3A_372 = vector.shape_cast %reduce_sum3A_371 : vector<256xf32> to vector<256x1xf32>
    %convert_element_type3A_373 = arith.fptosi %broadcast_in_dim3A_372 : vector<256x1xf32> to vector<256x1xi32>
    %swap3A_374 = arith.constant 3328 : index
    %swap3A_375 = arith.constant 0 : index
    %swap3A_376 = vector.load %arg4[%swap3A_374, %swap3A_375] : memref<4096x1xi32, #tpu.memory_space<vmem>>, vector<256x1xi32>
    tpu.vector_store %arg4[%swap3A_374, %swap3A_375], %convert_element_type3A_373 {strides = array<i32>} : memref<4096x1xi32, #tpu.memory_space<vmem>>, vector<256x1xi32>,
    %reduce_sum3A_377 = arith.constant dense<0.000000e+00> : vector<128xf32>
    %reduce_sum3A_378 = vector.multi_reduction <add>, %get3A_362, %reduce_sum3A_377 [0] : vector<256x128xf32> to vector<128xf32>
    %broadcast_in_dim3A_379 = vector.shape_cast %reduce_sum3A_378 : vector<128xf32> to vector<1x128xf32>
    %add3A_380 = arith.addf %add3A_359, %broadcast_in_dim3A_379 : vector<1x128xf32>
    %get3A_381 = arith.constant 3584 : index
    %get3A_382 = arith.constant 0 : index
    %get3A_383 = vector.load %arg7[%get3A_381, %get3A_382] : memref<4096x128xf32, #tpu.memory_space<vmem>>, vector<256x128xf32>
    %dot_general3A_384 = arith.constant dense<0.000000e+00> : vector<256x128xf32>
    %dot_general3A_385 = tpu.matmul %convert_element_type3A_84, %get3A_383, %dot_general3A_384 {dimension_numbers = #tpu.dot_dimension_numbers<[1], [0], [0], [1], [0, 0, 1, 1], [], []>, transpose_lhs_hint = false} : vector<256x256xf32>, vector<256x128xf32>, vector<256x128xf32> -> vector<256x128xf32>
    %add3A_386 = vector.broadcast %add3A_380 : vector<1x128xf32> to vector<256x128xf32>
    %add3A_387 = arith.addf %dot_general3A_385, %add3A_386 : vector<256x128xf32>
    %add3A_388 = vector.broadcast %mul3A_78 : vector<1x128xf32> to vector<256x128xf32>
    %add3A_389 = arith.addf %add3A_387, %add3A_388 : vector<256x128xf32>
    %mul3A_390 = arith.mulf %add3A_389, %get3A_383 : vector<256x128xf32>
    %reduce_sum3A_391 = arith.constant dense<0.000000e+00> : vector<256xf32>
    %reduce_sum3A_392 = vector.multi_reduction <add>, %mul3A_390, %reduce_sum3A_391 [1] : vector<256x128xf32> to vector<256xf32>
    %broadcast_in_dim3A_393 = vector.shape_cast %reduce_sum3A_392 : vector<256xf32> to vector<256x1xf32>
    %convert_element_type3A_394 = arith.fptosi %broadcast_in_dim3A_393 : vector<256x1xf32> to vector<256x1xi32>
    %swap3A_395 = arith.constant 3584 : index
    %swap3A_396 = arith.constant 0 : index
    %swap3A_397 = vector.load %arg4[%swap3A_395, %swap3A_396] : memref<4096x1xi32, #tpu.memory_space<vmem>>, vector<256x1xi32>
    tpu.vector_store %arg4[%swap3A_395, %swap3A_396], %convert_element_type3A_394 {strides = array<i32>} : memref<4096x1xi32, #tpu.memory_space<vmem>>, vector<256x1xi32>,
    %reduce_sum3A_398 = arith.constant dense<0.000000e+00> : vector<128xf32>
    %reduce_sum3A_399 = vector.multi_reduction <add>, %get3A_383, %reduce_sum3A_398 [0] : vector<256x128xf32> to vector<128xf32>
    %broadcast_in_dim3A_400 = vector.shape_cast %reduce_sum3A_399 : vector<128xf32> to vector<1x128xf32>
    %add3A_401 = arith.addf %add3A_380, %broadcast_in_dim3A_400 : vector<1x128xf32>
    %get3A_402 = arith.constant 3840 : index
    %get3A_403 = arith.constant 0 : index
    %get3A_404 = vector.load %arg7[%get3A_402, %get3A_403] : memref<4096x128xf32, #tpu.memory_space<vmem>>, vector<256x128xf32>
    %dot_general3A_405 = arith.constant dense<0.000000e+00> : vector<256x128xf32>
    %dot_general3A_406 = tpu.matmul %convert_element_type3A_84, %get3A_404, %dot_general3A_405 {dimension_numbers = #tpu.dot_dimension_numbers<[1], [0], [0], [1], [0, 0, 1, 1], [], []>, transpose_lhs_hint = false} : vector<256x256xf32>, vector<256x128xf32>, vector<256x128xf32> -> vector<256x128xf32>
    %add3A_407 = vector.broadcast %add3A_401 : vector<1x128xf32> to vector<256x128xf32>
    %add3A_408 = arith.addf %dot_general3A_406, %add3A_407 : vector<256x128xf32>
    %add3A_409 = vector.broadcast %mul3A_78 : vector<1x128xf32> to vector<256x128xf32>
    %add3A_410 = arith.addf %add3A_408, %add3A_409 : vector<256x128xf32>
    %mul3A_411 = arith.mulf %add3A_410, %get3A_404 : vector<256x128xf32>
    %reduce_sum3A_412 = arith.constant dense<0.000000e+00> : vector<256xf32>
    %reduce_sum3A_413 = vector.multi_reduction <add>, %mul3A_411, %reduce_sum3A_412 [1] : vector<256x128xf32> to vector<256xf32>
    %broadcast_in_dim3A_414 = vector.shape_cast %reduce_sum3A_413 : vector<256xf32> to vector<256x1xf32>
    %convert_element_type3A_415 = arith.fptosi %broadcast_in_dim3A_414 : vector<256x1xf32> to vector<256x1xi32>
    %swap3A_416 = arith.constant 3840 : index
    %swap3A_417 = arith.constant 0 : index
    %swap3A_418 = vector.load %arg4[%swap3A_416, %swap3A_417] : memref<4096x1xi32, #tpu.memory_space<vmem>>, vector<256x1xi32>
    tpu.vector_store %arg4[%swap3A_416, %swap3A_417], %convert_element_type3A_415 {strides = array<i32>} : memref<4096x1xi32, #tpu.memory_space<vmem>>, vector<256x1xi32>,
    %slice3A = vector.extract_strided_slice %dot_general3A_75 {offsets = [0, 0], sizes = [1, 64], strides = [1, 1]} : vector<1x128xf32> to vector<1x64xf32>
    %reduce_max3A_419 = arith.constant dense<0xFF800000> : vector<1xf32>
    %reduce_max3A_420 = vector.multi_reduction <maximumf>, %slice3A, %reduce_max3A_419 [1] : vector<1x64xf32> to vector<1xf32>
    %broadcast_in_dim3A_421 = vector.shape_cast %reduce_max3A_420 : vector<1xf32> to vector<1x1xf32>
    %iota3A_422 = tpu.iota {dimensions = array<i32: 0>} : vector<107x128xi32>
    %convert_element_type3A_423 = arith.sitofp %iota3A_422 : vector<107x128xi32> to vector<107x128xf32>
    %broadcast_in_dim3A_424 = vector.shape_cast %broadcast_in_dim3A_421 : vector<1x1xf32> to vector<1x1xf32>
    %broadcast_in_dim3A_425 = vector.broadcast %broadcast_in_dim3A_424 : vector<1x1xf32> to vector<107x128xf32>
    %sub3A_426 = arith.constant 1.000000e+00 : f32
    %sub3A_427 = vector.broadcast %sub3A_426 : f32 to vector<107x128xf32>
    %sub3A_428 = arith.subf %broadcast_in_dim3A_425, %sub3A_427 : vector<107x128xf32>
    %min3A = arith.minimumf %convert_element_type3A_423, %sub3A_428 : vector<107x128xf32>
    %slice3A_429 = vector.extract_strided_slice %dot_general3A_75 {offsets = [0, 0], sizes = [1, 64], strides = [1, 1]} : vector<1x128xf32> to vector<1x64xf32>
    %broadcast_in_dim3A_430 = vector.shape_cast %slice3A_429 : vector<1x64xf32> to vector<1x64xf32>
    %broadcast_in_dim3A_431 = vector.broadcast %broadcast_in_dim3A_430 : vector<1x64xf32> to vector<107x64xf32>
    %broadcast_in_dim3A_432 = arith.constant 1.000000e+09 : f32
    %broadcast_in_dim3A_433 = vector.broadcast %broadcast_in_dim3A_432 : f32 to vector<107x64xf32>
    %concatenate3A_434 = tpu.concatenate %broadcast_in_dim3A_431, %broadcast_in_dim3A_433 in 1 : vector<107x64xf32>, vector<107x64xf32> -> vector<107x128xf32>
    %le3A_435 = arith.cmpf ole, %concatenate3A_434, %min3A : vector<107x128xf32>
    %convert_element_type3A_436 = arith.extui %le3A_435 : vector<107x128xi1> to vector<107x128xi32>
    %convert_element_type3A_437 = arith.sitofp %convert_element_type3A_436 : vector<107x128xi32> to vector<107x128xf32>
    %reduce_sum3A_438 = arith.constant dense<0.000000e+00> : vector<107xf32>
    %reduce_sum3A_439 = vector.multi_reduction <add>, %convert_element_type3A_437, %reduce_sum3A_438 [1] : vector<107x128xf32> to vector<107xf32>
    %broadcast_in_dim3A_440 = vector.shape_cast %reduce_sum3A_439 : vector<107xf32> to vector<107x1xf32>
    %min3A_441 = arith.constant 6.300000e+01 : f32
    %min3A_442 = vector.broadcast %min3A_441 : f32 to vector<107x1xf32>
    %min3A_443 = arith.minimumf %broadcast_in_dim3A_440, %min3A_442 : vector<107x1xf32>
    %convert_element_type3A_444 = arith.fptosi %min3A_443 : vector<107x1xf32> to vector<107x1xi32>
    %swap3A_445 = arith.constant 0 : index
    %swap3A_446 = arith.constant 0 : index
    %swap3A_447 = vector.load %arg5[%swap3A_445, %swap3A_446] : memref<107x1xi32, #tpu.memory_space<vmem>>, vector<107x1xi32>
    tpu.vector_store %arg5[%swap3A_445, %swap3A_446], %convert_element_type3A_444 {strides = array<i32>} : memref<107x1xi32, #tpu.memory_space<vmem>>, vector<107x1xi32>,
    %slice3A_448 = vector.extract_strided_slice %convert_element_type3A_423 {offsets = [0, 0], sizes = [107, 1], strides = [1, 1]} : vector<107x128xf32> to vector<107x1xf32>
    %broadcast_in_dim3A_449 = vector.shape_cast %broadcast_in_dim3A_421 : vector<1x1xf32> to vector<1x1xf32>
    %broadcast_in_dim3A_450 = vector.broadcast %broadcast_in_dim3A_449 : vector<1x1xf32> to vector<107x1xf32>
    %lt3A_451 = arith.cmpf olt, %slice3A_448, %broadcast_in_dim3A_450 : vector<107x1xf32>
    %jit3A_452 = arith.constant 1.070000e+02 : f32
    %broadcast_in_dim3A_453 = vector.broadcast %jit3A_452 : f32 to vector<107x1xf32>
    %select_n3A_454 = arith.select %lt3A_451, %slice3A_448, %broadcast_in_dim3A_453 : vector<107x1xi1>, vector<107x1xf32>
    %convert_element_type3A_455 = arith.fptosi %select_n3A_454 : vector<107x1xf32> to vector<107x1xi32>
    %swap3A_456 = arith.constant 0 : index
    %swap3A_457 = arith.constant 0 : index
    %swap3A_458 = vector.load %arg6[%swap3A_456, %swap3A_457] : memref<107x1xi32, #tpu.memory_space<vmem>>, vector<107x1xi32>
    tpu.vector_store %arg6[%swap3A_456, %swap3A_457], %convert_element_type3A_455 {strides = array<i32>} : memref<107x1xi32, #tpu.memory_space<vmem>>, vector<107x1xi32>,
    return
  }
}

module attributes {stable_mosaic.version = 14 : i64} {
  func.func @_expert_body(%arg0: i32, %arg1: memref<107xi32, #tpu.memory_space<smem>>, %arg2: memref<107xi32, #tpu.memory_space<smem>>, %arg3: memref<96x1024xf32, #tpu.memory_space<vmem>>, %arg4: memref<1x1024x1024xf32, #tpu.memory_space<vmem>>, %arg5: memref<1x1024x512xf32, #tpu.memory_space<vmem>>, %arg6: memref<8x128xf32, #tpu.memory_space<vmem>>, %arg7: memref<96x1024xf32, #tpu.memory_space<vmem>>) attributes {dimension_semantics = [#tpu.dimension_semantics<arbitrary>], iteration_bounds = array<i64: 107>, scalar_prefetch = 2 : i64, scratch_operands = 0 : i64, tpu.core_type = #tpu.core_type<tc>, window_params = [{transform_indices = @transform_0, window_bounds = array<i64: 96, 1024>}, {transform_indices = @transform_1, window_bounds = array<i64: 1, 1024, 1024>}, {transform_indices = @transform_2, window_bounds = array<i64: 1, 1024, 512>}, {transform_indices = @transform_3, window_bounds = array<i64: 8, 128>}, {transform_indices = @transform_4, window_bounds = array<i64: 96, 1024>}]} {
    %get3A = arith.index_cast %arg0 : i32 to index
    %get3A_0 = memref.load %arg2[%get3A] : memref<107xi32, #tpu.memory_space<smem>>
    %eq3A = arith.cmpi eq, %get3A_0, %arg0 : i32
    %convert_element_type3A = arith.extui %eq3A : i1 to i32
    %cond3A = arith.constant 0 : i32
    %cond3A_1 = arith.cmpi ne, %convert_element_type3A, %cond3A : i32
    scf.if %cond3A_1 {
      %get3A_2 = arith.constant 0 : index
      %get3A_3 = arith.constant 0 : index
      %get3A_4 = vector.load %arg3[%get3A_2, %get3A_3] : memref<96x1024xf32, #tpu.memory_space<vmem>>, vector<96x1024xf32>
      %get3A_5 = arith.constant 0 : index
      %get3A_6 = arith.constant 0 : index
      %get3A_7 = arith.constant 0 : index
      %get3A_8 = vector.load %arg4[%get3A_5, %get3A_6, %get3A_7] : memref<1x1024x1024xf32, #tpu.memory_space<vmem>>, vector<1x1024x1024xf32>
      %get3A_9 = vector.shape_cast %get3A_8 : vector<1x1024x1024xf32> to vector<1024x1024xf32>
      %dot_general3A = arith.constant dense<0.000000e+00> : vector<96x1024xf32>
      %dot_general3A_10 = tpu.matmul %get3A_4, %get3A_9, %dot_general3A {dimension_numbers = #tpu.dot_dimension_numbers<[1], [1], [0], [0], [0, 0, 1, 0], [], []>, transpose_lhs_hint = false} : vector<96x1024xf32>, vector<1024x1024xf32>, vector<96x1024xf32> -> vector<96x1024xf32>
      %slice3A = vector.extract_strided_slice %dot_general3A_10 {offsets = [0, 0], sizes = [96, 512], strides = [1, 1]} : vector<96x1024xf32> to vector<96x512xf32>
      %slice3A_11 = vector.extract_strided_slice %dot_general3A_10 {offsets = [0, 512], sizes = [96, 512], strides = [1, 1]} : vector<96x1024xf32> to vector<96x512xf32>
      %neg3A = arith.constant 0.000000e+00 : f32
      %neg3A_12 = vector.broadcast %neg3A : f32 to vector<96x512xf32>
      %neg3A_13 = arith.subf %neg3A_12, %slice3A : vector<96x512xf32>
      %exp3A = math.exp %neg3A_13 : vector<96x512xf32>
      %add3A = arith.constant 1.000000e+00 : f32
      %add3A_14 = vector.broadcast %add3A : f32 to vector<96x512xf32>
      %add3A_15 = arith.addf %add3A_14, %exp3A : vector<96x512xf32>
      %div3A = arith.constant 1.000000e+00 : f32
      %div3A_16 = vector.broadcast %div3A : f32 to vector<96x512xf32>
      %div3A_17 = arith.divf %div3A_16, %add3A_15 : vector<96x512xf32>
      %mul3A = arith.mulf %slice3A, %div3A_17 : vector<96x512xf32>
      %mul3A_18 = arith.mulf %mul3A, %slice3A_11 : vector<96x512xf32>
      %get3A_19 = arith.constant 0 : index
      %get3A_20 = arith.constant 0 : index
      %get3A_21 = arith.constant 0 : index
      %get3A_22 = vector.load %arg5[%get3A_19, %get3A_20, %get3A_21] : memref<1x1024x512xf32, #tpu.memory_space<vmem>>, vector<1x1024x512xf32>
      %get3A_23 = vector.shape_cast %get3A_22 : vector<1x1024x512xf32> to vector<1024x512xf32>
      %dot_general3A_24 = arith.constant dense<0.000000e+00> : vector<96x1024xf32>
      %dot_general3A_25 = tpu.matmul %mul3A_18, %get3A_23, %dot_general3A_24 {dimension_numbers = #tpu.dot_dimension_numbers<[1], [1], [0], [0], [0, 0, 1, 0], [], []>, transpose_lhs_hint = false} : vector<96x512xf32>, vector<1024x512xf32>, vector<96x1024xf32> -> vector<96x1024xf32>
      %swap3A = arith.constant 0 : index
      %swap3A_26 = arith.constant 0 : index
      %swap3A_27 = vector.load %arg7[%swap3A, %swap3A_26] : memref<96x1024xf32, #tpu.memory_space<vmem>>, vector<96x1024xf32>
      tpu.vector_store %arg7[%swap3A, %swap3A_26], %dot_general3A_25 {strides = array<i32>} : memref<96x1024xf32, #tpu.memory_space<vmem>>, vector<96x1024xf32>,
    } else {
    }
    return
  }
  func.func @transform_0(%arg0: i32, %arg1: memref<107xi32, #tpu.memory_space<smem>>, %arg2: memref<107xi32, #tpu.memory_space<smem>>) -> (i32, i32) {
    %get3A = arith.index_cast %arg0 : i32 to index
    %get3A_0 = memref.load %arg2[%get3A] : memref<107xi32, #tpu.memory_space<smem>>
    %c0_i32 = arith.constant 0 : i32
    %c0_i32_1 = arith.constant 0 : i32
    return %get3A_0, %c0_i32 : i32, i32
  }
  func.func @transform_1(%arg0: i32, %arg1: memref<107xi32, #tpu.memory_space<smem>>, %arg2: memref<107xi32, #tpu.memory_space<smem>>) -> (i32, i32, i32) {
    %get3A = arith.index_cast %arg0 : i32 to index
    %get3A_0 = memref.load %arg1[%get3A] : memref<107xi32, #tpu.memory_space<smem>>
    %c0_i32 = arith.constant 0 : i32
    %c0_i32_1 = arith.constant 0 : i32
    %c0_i32_2 = arith.constant 0 : i32
    return %get3A_0, %c0_i32, %c0_i32_1 : i32, i32, i32
  }
  func.func @transform_2(%arg0: i32, %arg1: memref<107xi32, #tpu.memory_space<smem>>, %arg2: memref<107xi32, #tpu.memory_space<smem>>) -> (i32, i32, i32) {
    %get3A = arith.index_cast %arg0 : i32 to index
    %get3A_0 = memref.load %arg1[%get3A] : memref<107xi32, #tpu.memory_space<smem>>
    %c0_i32 = arith.constant 0 : i32
    %c0_i32_1 = arith.constant 0 : i32
    %c0_i32_2 = arith.constant 0 : i32
    return %get3A_0, %c0_i32, %c0_i32_1 : i32, i32, i32
  }
  func.func @transform_3(%arg0: i32, %arg1: memref<107xi32, #tpu.memory_space<smem>>, %arg2: memref<107xi32, #tpu.memory_space<smem>>) -> (i32, i32) {
    %c0_i32 = arith.constant 0 : i32
    %c0_i32_0 = arith.constant 0 : i32
    %c0_i32_1 = arith.constant 0 : i32
    return %c0_i32, %c0_i32_0 : i32, i32
  }
  func.func @transform_4(%arg0: i32, %arg1: memref<107xi32, #tpu.memory_space<smem>>, %arg2: memref<107xi32, #tpu.memory_space<smem>>) -> (i32, i32) {
    %get3A = arith.index_cast %arg0 : i32 to index
    %get3A_0 = memref.load %arg2[%get3A] : memref<107xi32, #tpu.memory_space<smem>>
    %c0_i32 = arith.constant 0 : i32
    %c0_i32_1 = arith.constant 0 : i32
    return %get3A_0, %c0_i32 : i32, i32
  }
}

module attributes {stable_mosaic.version = 14 : i64} {
  func.func @body(%arg0: i32, %arg1: memref<256x1024xf32, #tpu.memory_space<vmem>>, %arg2: memref<1024x1024xf32, #tpu.memory_space<vmem>>, %arg3: memref<1024x1024xf32, #tpu.memory_space<vmem>>, %arg4: memref<1024x1024xf32, #tpu.memory_space<vmem>>, %arg5: memref<1x1024xf32, #tpu.memory_space<vmem>>, %arg6: memref<2048x1024xf32, #tpu.memory_space<any>>, %arg7: memref<256x1024xf32, #tpu.memory_space<vmem>>) attributes {dimension_semantics = [#tpu.dimension_semantics<arbitrary>], iteration_bounds = array<i64: 4>, scalar_prefetch = 0 : i64, scratch_operands = 0 : i64, tpu.core_type = #tpu.core_type<tc>, window_params = [{transform_indices = @transform_0, window_bounds = array<i64: 256, 1024>}, {pipeline_mode = #tpu.pipeline_mode<synchronous>, transform_indices = @transform_1, window_bounds = array<i64: 1024, 1024>}, {pipeline_mode = #tpu.pipeline_mode<synchronous>, transform_indices = @transform_2, window_bounds = array<i64: 1024, 1024>}, {pipeline_mode = #tpu.pipeline_mode<synchronous>, transform_indices = @transform_3, window_bounds = array<i64: 1024, 1024>}, {pipeline_mode = #tpu.pipeline_mode<synchronous>, transform_indices = @transform_4, window_bounds = array<i64: 1, 1024>}, {}, {transform_indices = @transform_6, window_bounds = array<i64: 256, 1024>}]} {
    %get3A = arith.constant 0 : index
    %get3A_0 = arith.constant 0 : index
    %get3A_1 = vector.load %arg1[%get3A, %get3A_0] : memref<256x1024xf32, #tpu.memory_space<vmem>>, vector<256x1024xf32>
    %get3A_2 = arith.constant 0 : index
    %get3A_3 = arith.constant 0 : index
    %get3A_4 = vector.load %arg2[%get3A_2, %get3A_3] : memref<1024x1024xf32, #tpu.memory_space<vmem>>, vector<1024x1024xf32>
    %dot_general3A = arith.constant dense<0.000000e+00> : vector<256x1024xf32>
    %dot_general3A_5 = tpu.matmul %get3A_1, %get3A_4, %dot_general3A {dimension_numbers = #tpu.dot_dimension_numbers<[1], [1], [0], [0], [0, 0, 1, 0], [], []>, transpose_lhs_hint = false} : vector<256x1024xf32>, vector<1024x1024xf32>, vector<256x1024xf32> -> vector<256x1024xf32>
    %get3A_6 = arith.constant 0 : index
    %get3A_7 = arith.constant 0 : index
    %get3A_8 = vector.load %arg3[%get3A_6, %get3A_7] : memref<1024x1024xf32, #tpu.memory_space<vmem>>, vector<1024x1024xf32>
    %dot_general3A_9 = arith.constant dense<0.000000e+00> : vector<256x1024xf32>
    %dot_general3A_10 = tpu.matmul %get3A_1, %get3A_8, %dot_general3A_9 {dimension_numbers = #tpu.dot_dimension_numbers<[1], [1], [0], [0], [0, 0, 1, 0], [], []>, transpose_lhs_hint = false} : vector<256x1024xf32>, vector<1024x1024xf32>, vector<256x1024xf32> -> vector<256x1024xf32>
    %neg3A = arith.constant 0.000000e+00 : f32
    %neg3A_11 = vector.broadcast %neg3A : f32 to vector<256x1024xf32>
    %neg3A_12 = arith.subf %neg3A_11, %dot_general3A_5 : vector<256x1024xf32>
    %exp3A = math.exp %neg3A_12 : vector<256x1024xf32>
    %add3A = arith.constant 1.000000e+00 : f32
    %add3A_13 = vector.broadcast %add3A : f32 to vector<256x1024xf32>
    %add3A_14 = arith.addf %add3A_13, %exp3A : vector<256x1024xf32>
    %div3A = arith.constant 1.000000e+00 : f32
    %div3A_15 = vector.broadcast %div3A : f32 to vector<256x1024xf32>
    %div3A_16 = arith.divf %div3A_15, %add3A_14 : vector<256x1024xf32>
    %mul3A = arith.mulf %dot_general3A_5, %div3A_16 : vector<256x1024xf32>
    %mul3A_17 = arith.mulf %mul3A, %dot_general3A_10 : vector<256x1024xf32>
    %get3A_18 = arith.constant 0 : index
    %get3A_19 = arith.constant 0 : index
    %get3A_20 = vector.load %arg4[%get3A_18, %get3A_19] : memref<1024x1024xf32, #tpu.memory_space<vmem>>, vector<1024x1024xf32>
    %dot_general3A_21 = arith.constant dense<0.000000e+00> : vector<256x1024xf32>
    %dot_general3A_22 = tpu.matmul %mul3A_17, %get3A_20, %dot_general3A_21 {dimension_numbers = #tpu.dot_dimension_numbers<[1], [1], [0], [0], [0, 0, 1, 0], [], []>, transpose_lhs_hint = false} : vector<256x1024xf32>, vector<1024x1024xf32>, vector<256x1024xf32> -> vector<256x1024xf32>
    %get3A_23 = arith.constant 0 : index
    %get3A_24 = arith.constant 0 : index
    %get3A_25 = vector.load %arg5[%get3A_23, %get3A_24] : memref<1x1024xf32, #tpu.memory_space<vmem>>, vector<1x1024xf32>
    %mul3A_26 = vector.broadcast %get3A_25 : vector<1x1024xf32> to vector<256x1024xf32>
    %mul3A_27 = arith.mulf %get3A_1, %mul3A_26 : vector<256x1024xf32>
    %reduce_sum3A = arith.constant dense<0.000000e+00> : vector<256xf32>
    %reduce_sum3A_28 = vector.multi_reduction <add>, %mul3A_27, %reduce_sum3A [1] : vector<256x1024xf32> to vector<256xf32>
    %broadcast_in_dim3A = vector.shape_cast %reduce_sum3A_28 : vector<256xf32> to vector<256x1xf32>
    %neg3A_29 = arith.constant 0.000000e+00 : f32
    %neg3A_30 = vector.broadcast %neg3A_29 : f32 to vector<256x1xf32>
    %neg3A_31 = arith.subf %neg3A_30, %broadcast_in_dim3A : vector<256x1xf32>
    %exp3A_32 = math.exp %neg3A_31 : vector<256x1xf32>
    %add3A_33 = arith.constant 1.000000e+00 : f32
    %add3A_34 = vector.broadcast %add3A_33 : f32 to vector<256x1xf32>
    %add3A_35 = arith.addf %add3A_34, %exp3A_32 : vector<256x1xf32>
    %div3A_36 = arith.constant 1.000000e+00 : f32
    %div3A_37 = vector.broadcast %div3A_36 : f32 to vector<256x1xf32>
    %div3A_38 = arith.divf %div3A_37, %add3A_35 : vector<256x1xf32>
    %mul3A_39 = vector.broadcast %div3A_38 : vector<256x1xf32> to vector<256x1024xf32>
    %mul3A_40 = arith.mulf %mul3A_39, %dot_general3A_22 : vector<256x1024xf32>
    %swap3A = arith.constant 0 : index
    %swap3A_41 = arith.constant 0 : index
    %swap3A_42 = vector.load %arg7[%swap3A, %swap3A_41] : memref<256x1024xf32, #tpu.memory_space<vmem>>, vector<256x1024xf32>
    tpu.vector_store %arg7[%swap3A, %swap3A_41], %mul3A_40 {strides = array<i32>} : memref<256x1024xf32, #tpu.memory_space<vmem>>, vector<256x1024xf32>,
    return
  }
  func.func @transform_0(%arg0: i32) -> (i32, i32) {
    %add3A = arith.constant 4 : i32
    %add3A_0 = arith.addi %arg0, %add3A : i32
    %c0_i32 = arith.constant 0 : i32
    %c0_i32_1 = arith.constant 0 : i32
    return %add3A_0, %c0_i32 : i32, i32
  }
  func.func @transform_1(%arg0: i32) -> (i32, i32) {
    %c0_i32 = arith.constant 0 : i32
    %c0_i32_0 = arith.constant 0 : i32
    %c0_i32_1 = arith.constant 0 : i32
    return %c0_i32, %c0_i32_0 : i32, i32
  }
  func.func @transform_2(%arg0: i32) -> (i32, i32) {
    %c0_i32 = arith.constant 0 : i32
    %c0_i32_0 = arith.constant 0 : i32
    %c0_i32_1 = arith.constant 0 : i32
    return %c0_i32, %c0_i32_0 : i32, i32
  }
  func.func @transform_3(%arg0: i32) -> (i32, i32) {
    %c0_i32 = arith.constant 0 : i32
    %c0_i32_0 = arith.constant 0 : i32
    %c0_i32_1 = arith.constant 0 : i32
    return %c0_i32, %c0_i32_0 : i32, i32
  }
  func.func @transform_4(%arg0: i32) -> (i32, i32) {
    %c0_i32 = arith.constant 0 : i32
    %c0_i32_0 = arith.constant 0 : i32
    %c0_i32_1 = arith.constant 0 : i32
    return %c0_i32, %c0_i32_0 : i32, i32
  }
  func.func @transform_6(%arg0: i32) -> (i32, i32) {
    %add3A = arith.constant 4 : i32
    %add3A_0 = arith.addi %arg0, %add3A : i32
    %c0_i32 = arith.constant 0 : i32
    %c0_i32_1 = arith.constant 0 : i32
    return %add3A_0, %c0_i32 : i32, i32
  }
}

module attributes {stable_mosaic.version = 14 : i64} {
  func.func @_combine_body(%arg0: i32, %arg1: memref<256x1024xf32, #tpu.memory_space<vmem>>, %arg2: memref<1x256x1024xf32, #tpu.memory_space<vmem>>, %arg3: memref<1x256x1024xf32, #tpu.memory_space<vmem>>, %arg4: memref<1x256x1xf32, #tpu.memory_space<vmem>>, %arg5: memref<1x256x1xf32, #tpu.memory_space<vmem>>, %arg6: memref<256x1024xf32, #tpu.memory_space<vmem>>) attributes {dimension_semantics = [#tpu.dimension_semantics<arbitrary>], iteration_bounds = array<i64: 8>, scalar_prefetch = 0 : i64, scratch_operands = 0 : i64, tpu.core_type = #tpu.core_type<tc>, window_params = [{transform_indices = @transform_0, window_bounds = array<i64: 256, 1024>}, {transform_indices = @transform_1, window_bounds = array<i64: 1, 256, 1024>}, {transform_indices = @transform_2, window_bounds = array<i64: 1, 256, 1024>}, {transform_indices = @transform_3, window_bounds = array<i64: 1, 256, 1>}, {transform_indices = @transform_4, window_bounds = array<i64: 1, 256, 1>}, {transform_indices = @transform_5, window_bounds = array<i64: 256, 1024>}]} {
    %get3A = arith.constant 0 : index
    %get3A_0 = arith.constant 0 : index
    %get3A_1 = vector.load %arg1[%get3A, %get3A_0] : memref<256x1024xf32, #tpu.memory_space<vmem>>, vector<256x1024xf32>
    %get3A_2 = arith.constant 0 : index
    %get3A_3 = arith.constant 0 : index
    %get3A_4 = arith.constant 0 : index
    %get3A_5 = vector.load %arg4[%get3A_2, %get3A_3, %get3A_4] : memref<1x256x1xf32, #tpu.memory_space<vmem>>, vector<1x256x1xf32>
    %get3A_6 = vector.shape_cast %get3A_5 : vector<1x256x1xf32> to vector<256x1xf32>
    %get3A_7 = arith.constant 0 : index
    %get3A_8 = arith.constant 0 : index
    %get3A_9 = arith.constant 0 : index
    %get3A_10 = vector.load %arg2[%get3A_7, %get3A_8, %get3A_9] : memref<1x256x1024xf32, #tpu.memory_space<vmem>>, vector<1x256x1024xf32>
    %get3A_11 = vector.shape_cast %get3A_10 : vector<1x256x1024xf32> to vector<256x1024xf32>
    %mul3A = vector.broadcast %get3A_6 : vector<256x1xf32> to vector<256x1024xf32>
    %mul3A_12 = arith.mulf %mul3A, %get3A_11 : vector<256x1024xf32>
    %add3A = arith.addf %get3A_1, %mul3A_12 : vector<256x1024xf32>
    %get3A_13 = arith.constant 0 : index
    %get3A_14 = arith.constant 0 : index
    %get3A_15 = arith.constant 0 : index
    %get3A_16 = vector.load %arg5[%get3A_13, %get3A_14, %get3A_15] : memref<1x256x1xf32, #tpu.memory_space<vmem>>, vector<1x256x1xf32>
    %get3A_17 = vector.shape_cast %get3A_16 : vector<1x256x1xf32> to vector<256x1xf32>
    %get3A_18 = arith.constant 0 : index
    %get3A_19 = arith.constant 0 : index
    %get3A_20 = arith.constant 0 : index
    %get3A_21 = vector.load %arg3[%get3A_18, %get3A_19, %get3A_20] : memref<1x256x1024xf32, #tpu.memory_space<vmem>>, vector<1x256x1024xf32>
    %get3A_22 = vector.shape_cast %get3A_21 : vector<1x256x1024xf32> to vector<256x1024xf32>
    %mul3A_23 = vector.broadcast %get3A_17 : vector<256x1xf32> to vector<256x1024xf32>
    %mul3A_24 = arith.mulf %mul3A_23, %get3A_22 : vector<256x1024xf32>
    %add3A_25 = arith.addf %add3A, %mul3A_24 : vector<256x1024xf32>
    %swap3A = arith.constant 0 : index
    %swap3A_26 = arith.constant 0 : index
    %swap3A_27 = vector.load %arg6[%swap3A, %swap3A_26] : memref<256x1024xf32, #tpu.memory_space<vmem>>, vector<256x1024xf32>
    tpu.vector_store %arg6[%swap3A, %swap3A_26], %add3A_25 {strides = array<i32>} : memref<256x1024xf32, #tpu.memory_space<vmem>>, vector<256x1024xf32>,
    return
  }
  func.func @transform_0(%arg0: i32) -> (i32, i32) {
    %c0_i32 = arith.constant 0 : i32
    %c0_i32_0 = arith.constant 0 : i32
    return %arg0, %c0_i32 : i32, i32
  }
  func.func @transform_1(%arg0: i32) -> (i32, i32, i32) {
    %c0_i32 = arith.constant 0 : i32
    %c0_i32_0 = arith.constant 0 : i32
    %c0_i32_1 = arith.constant 0 : i32
    return %c0_i32, %arg0, %c0_i32_0 : i32, i32, i32
  }
  func.func @transform_2(%arg0: i32) -> (i32, i32, i32) {
    %c1_i32 = arith.constant 1 : i32
    %c0_i32 = arith.constant 0 : i32
    %c0_i32_0 = arith.constant 0 : i32
    return %c1_i32, %arg0, %c0_i32 : i32, i32, i32
  }
  func.func @transform_3(%arg0: i32) -> (i32, i32, i32) {
    %c0_i32 = arith.constant 0 : i32
    %c0_i32_0 = arith.constant 0 : i32
    %c0_i32_1 = arith.constant 0 : i32
    return %c0_i32, %arg0, %c0_i32_0 : i32, i32, i32
  }
  func.func @transform_4(%arg0: i32) -> (i32, i32, i32) {
    %c1_i32 = arith.constant 1 : i32
    %c0_i32 = arith.constant 0 : i32
    %c0_i32_0 = arith.constant 0 : i32
    return %c1_i32, %arg0, %c0_i32 : i32, i32, i32
  }
  func.func @transform_5(%arg0: i32) -> (i32, i32) {
    %c0_i32 = arith.constant 0 : i32
    %c0_i32_0 = arith.constant 0 : i32
    return %arg0, %c0_i32 : i32, i32
  }
}

</mosaic_0001>

<sc_bundles>
// kernel: kernel.12.cloned.1.call-start
scs
__scs_entry_jumppad:
0x0: {  	(pc) =	sbr.rel $0x88, $3  }
0x1: {  	(tag) =	ssettag $0x0;
	lr =	simm.s32 $0x1  }
0x2: {  	[smem:$0x3F99] =	sst lr;
	_ =	strace $0xD0000000  }
0x3: {  	_ = 	snop  }
0x4: {  	_ = 	snop  }
0x5: {  	_ = 	snop  }
0x6: {  	_ = 	snop  }
0x7: {  	_ = 	snop  }
__scs_overlays_trampoline_lowered:
0x8: {  	[smem:$0x3FA8] =	sst s0  }
0x9: {  	[smem:$0x3FA9] =	sst s1  }
0xa: {  	[smem:$0x3FAA] =	sst s2  }
0xb: {  	[smem:$0x3FAB] =	sst s3  }
0xc: {  	[smem:$0x3FAC] =	sst s4  }
0xd: {  	[smem:$0x3FAD] =	sst s5  }
0xe: {  	[smem:$0x3FAE] =	sst s6  }
0xf: {  	[smem:$0x3FAF] =	sst s7  }
0x10: {  	[smem:$0x3FB0] =	sst s8  }
0x11: {  	[smem:$0x3FB1] =	sst s9;
	s0 =	simm.s32 @!p0 $0x0  }
0x12: {  	s1 =	sld [smem:$0x3F97];
	s0 =	simm.s32 @p0 $0x1  }
0x13: {  	[smem:$0x3FB2] =	sst s0;
	s0 =	simm.s32 @!p1 $0x0  }
0x14: {  	s2 =	sld [smem:$0x3F96];
	s0 =	simm.s32 @p1 $0x1  }
0x15: {  	[smem:$0x3FB3] =	sst s0;
	s0 =	simm.s32 @!p2 $0x0  }
0x16: {  	s3 =	sld [smem:$0x3FDB];
	s0 =	simm.s32 @p2 $0x1  }
0x17: {  	s4 =	simm.s32 $0x1BF5;
	[smem:$0x3FB5] =	sst s0  }
0x18: {  	s0 =	sld [smem:$0x3F98];
	_ =	swait.ge [sflag:s4], $0x0  }
0x19: {  	s7 =	sld [smem:$0x3F99]  }
0x1a: {  	s8 =	sadd.s32 $0xFFFFE003, lr  }
0x1b: {  	s9 =	sadd.s32 $0xFFFFFEF7, lr;
	s5 =	simm.s32 $0xFFFFFFFF;
	p2 =	slt.u32 s8, $0xFFFFF086  }
0x1c: {  	p1 =	slt.u32 s9, $0xF7A;
	s5 =	simm.s32 @!p2 $0x0  }
0x1d: {  	s5 =	simm.s32 @p1 $0x1;
	p0 =	seq.s32 s7, s2  }
0x1e: {  	s7 =	smul.u32 @!p0 $0xF7A, s2;
	p2 =	seq.s32 @!p0 s5, $0x0  }
0x1f: {  	s9 =	smul.u32 $0xF7A, s1;
	s8 =	simm.s32 @!p0 $0x1BF5;
	p2 =	por !p2, p0  }
0x20: {  	[sflag:s8] =	ssyncset.s32 @!p0 $0xFFFFF086;
	s6 =	sadd.s32 @!p0 s3, s7;
	s7 =	simm.s32 @!p0 $0x108  }
0x21: {  	s3 =	sadd.s32 s3, s9;
	s6 =	sadd.s32 @!p0 $0x88, s6;
	s7 =	simm.s32 @p2 $0x1082  }
0x22: {  	[simem:s7], [sflag:s8] =	dma.local @!p0 [hbm:s6], $0xF7A  }
0x23: {  	s9 =	sor.u32 $0xD0000000, s2;
	s6 =	simm.s32 $0x108;
	_ =	swait.ge @!p0 [sflag:s8], $0x0  }
0x24: {  	s3 =	sadd.s32 $0x88, s3;
	s6 =	simm.s32 @!p1 $0x1082;
	[sflag:s4] =	ssyncset.s32 $0xFFFFF086  }
0x25: {  	[simem:s6], [sflag:s4] =	dma.local [hbm:s3], $0xF7A  }
0x26: {  	[smem:$0x3F99] =	sst s1;
	(tag) =	ssettag s2;
	_ =	strace s9  }
0x27: {  	s1 =	sld [smem:$0x3FA9]  }
0x28: {  	s2 =	sld [smem:$0x3FAA]  }
0x29: {  	s4 =	sld [smem:$0x3FAC]  }
0x2a: {  	p0 =	seq.s32 s5, $0x0;
	s5 =	sld [smem:$0x3FAD]  }
0x2b: {  	s6 =	sld [smem:$0x3FAE]  }
0x2c: {  	s7 =	sld [smem:$0x3FAF]  }
0x2d: {  	s3 =	simm.s32 $0x108;
	s8 =	sld [smem:$0x3FB0]  }
0x2e: {  	s3 =	simm.s32 @!p0 $0x1082;
	s9 =	sld [smem:$0x3FB1]  }
0x2f: {  	lr =	sadd.s32 s0, s3;
	s0 =	sld [smem:$0x3FA8]  }
0x30: {  	s3 =	sld [smem:$0x3FAB]  }
0x31: {  	[smem:$0x3FB4] =	sst s10  }
0x32: {  	s10 =	sld [smem:$0x3FB2];
	_ =	sdelay $0x3  }
0x33: {  	p0 =	seq.s32 s10, $0x1;
	s10 =	sld [smem:$0x3FB4];
	_ =	sdelay $0x3  }
0x34: {  	[smem:$0x3FB4] =	sst s10  }
0x35: {  	s10 =	sld [smem:$0x3FB3];
	_ =	sdelay $0x3  }
0x36: {  	p1 =	seq.s32 s10, $0x1;
	s10 =	sld [smem:$0x3FB4];
	_ =	sdelay $0x3  }
0x37: {  	[smem:$0x3FB4] =	sst s10  }
0x38: {  	s10 =	sld [smem:$0x3FB5]  }
0x39: {  	_ = 	snop;
	(pc) =	sbr.ind lr, $3  }
0x3a: {  	_ = 	snop  }
0x3b: {  	_ = 	snop  }
0x3c: {  	p2 =	seq.s32 s10, $0x1;
	s10 =	sld [smem:$0x3FB4]  }
0x3d: {  	_ =	shalt  }
0x3e: {  	_ =	shalt  }
0x3f: {  	_ =	shalt  }
0x40: {  	_ =	shalt  }
0x41: {  	_ =	shalt  }
0x42: {  	_ =	shalt  }
0x43: {  	_ =	shalt  }
0x44: {  	_ =	shalt  }
0x45: {  	_ =	shalt  }
0x46: {  	_ =	shalt  }
0x47: {  	_ =	shalt  }
0x48: {  	_ =	shalt  }
0x49: {  	_ =	shalt  }
0x4a: {  	_ =	shalt  }
0x4b: {  	_ =	shalt  }
0x4c: {  	_ =	shalt  }
0x4d: {  	_ =	shalt  }
0x4e: {  	_ =	shalt  }
0x4f: {  	_ =	shalt  }
0x50: {  	_ =	shalt  }
0x51: {  	_ =	shalt  }
0x52: {  	_ =	shalt  }
0x53: {  	_ =	shalt  }
0x54: {  	_ =	shalt  }
0x55: {  	_ =	shalt  }
0x56: {  	_ =	shalt  }
0x57: {  	_ =	shalt  }
0x58: {  	_ =	shalt  }
0x59: {  	_ =	shalt  }
0x5a: {  	_ =	shalt  }
0x5b: {  	_ =	shalt  }
0x5c: {  	_ =	shalt  }
0x5d: {  	_ =	shalt  }
0x5e: {  	_ =	shalt  }
0x5f: {  	_ =	shalt  }
0x60: {  	_ =	shalt  }
0x61: {  	_ =	shalt  }
0x62: {  	_ =	shalt  }
0x63: {  	_ =	shalt  }
0x64: {  	_ =	shalt  }
0x65: {  	_ =	shalt  }
0x66: {  	_ =	shalt  }
0x67: {  	_ =	shalt  }
0x68: {  	_ =	shalt  }
0x69: {  	_ =	shalt  }
0x6a: {  	_ =	shalt  }
0x6b: {  	_ =	shalt  }
0x6c: {  	_ =	shalt  }
0x6d: {  	_ =	shalt  }
0x6e: {  	_ =	shalt  }
0x6f: {  	_ =	shalt  }
0x70: {  	_ =	shalt  }
0x71: {  	_ =	shalt  }
0x72: {  	_ =	shalt  }
0x73: {  	_ =	shalt  }
0x74: {  	_ =	shalt  }
0x75: {  	_ =	shalt  }
0x76: {  	_ =	shalt  }
0x77: {  	_ =	shalt  }
0x78: {  	_ =	shalt  }
0x79: {  	_ =	shalt  }
0x7a: {  	_ =	shalt  }
0x7b: {  	_ =	shalt  }
0x7c: {  	_ =	shalt  }
0x7d: {  	_ =	shalt  }
0x7e: {  	_ =	shalt  }
0x7f: {  	_ =	shalt  }
0x80: {  	_ =	shalt  }
0x81: {  	_ =	shalt  }
0x82: {  	_ =	shalt  }
0x83: {  	_ =	shalt  }
0x84: {  	_ =	shalt  }
0x85: {  	_ =	shalt  }
0x86: {  	_ =	shalt  }
0x87: {  	_ =	shalt  }
.Lfunc_end0:
.L_simem_size_0:
called_computation.1_lowered:
.L_overlay_start_0:
0x88: {  	s2 =	sld [smem:$0x3FD9]  }
0x89: {  	s3 =	sld [smem:$0x3FFE];
	_ =	sdelay $0x1  }
0x8a: {  	s1 =	srdreg.scid  }
0x8b: {  	s0 =	sand.u32 $0x1, s1  }
0x8c: {  	s16 =	sshll.u32 s0, $0xA;
	s2 =	sadd.s32 s3, s2  }
0x8d: {  	s2 =	sadd.s32 s2, s16  }
0x8e: {  	[smem:$0x3FC0] =	sst s2  }
0x8f: {  	_ = 	snop  }
0x90: {  	(tm) =	ssettm $0x1  }
0x91: {  	s17 =	sld [smem:$0x3FFB];
	_ =	sdelay $0x3  }
0x92: {  	_ =	strace s17  }
0x93: {  	s2 =	sld [smem:$0x3FFC];
	_ =	sdelay $0x3  }
0x94: {  	_ =	strace s2  }
0x95: {  	s2 =	sld [smem:$0x3FFD];
	_ =	sdelay $0x3  }
0x96: {  	_ =	strace s2  }
0x97: {  	_ =	strace $0x8FFFFFFF  }
0x98: {  	s18 =	sld [smem:$0x3FDB];
	_ =	sdelay $0x1  }
0x99: {  	s19 =	simm.s32 $_scs_section_size  }
0x9a: {  	s4 =	simm.s32 $_size__tile_overlayer_lowered;
	s5 =	simm.s32 $_tile_overlayer_lowered  }
0x9b: {  	s22 =	simm.s32 $0x1BFF;
	s21 =	sshll.u32 s5, $0x1;
	s2 =	sadd.s32 s19, s18  }
0x9c: {  	s6 =	simm.s32 $0x0;
	s20 =	sshll.u32 s4, $0x1;
	s4 =	sadd.s32 s21, s2  }
0x9d: {  	[timem:s6], [sflag:s22] =	dma.local [hbm:s4], s20  }
0x9e: {  	_ =	swait.ge [sflag:s22], s20  }
0x9f: {  	s3 =	ssub.s32 $0x0, s20;
	[sflag:s22] =	ssyncset.done $0x0  }
0xa0: {  	[sflag:s22] =	ssyncadd.s32 s3;
	_ =	sdelay $0x1  }
0xa1: {  	s23 =	simm.s32 $0x1B8B  }
0xa2: {  	_ =	swait.ge [sflag:s23], $0x1  }
0xa3: {  	[sflag:s23] =	ssyncset.done $0x0  }
0xa4: {  	s25 =	simm.s32 $0x1B8E;
	s24 =	sld [smem:$0x3FFE];
	[sflag:s23] =	ssyncadd.s32 $0xFFFFFFFF  }
0xa5: {  	s26 =	simm.s32 $execute0_lowered;
	[smem:$0x3FD2] =	sst s25  }
0xa6: {  	s4 =	sshll.u32 s26, $0x1;
	_ =	strace $0x80000049;
	[dreg:$0x1] =	wrdreg $0xFFFFFFFF  }
0xa7: {  	s28 =	simm.s32 $_size_execute0_lowered;
	s2 =	sadd.s32 s2, s4;
	[dreg:$0x0] =	wrdreg $0x0  }
0xa8: {  	s4 =	sshll.u32 s28, $0x1;
	[dreg:$0x2] =	wrdreg s2  }
0xa9: {  	[dreg:$0x3] =	wrdreg s4  }
0xaa: {  	[dreg:$0x4] =	wrdreg $0xC0  }
0xab: {  	_ =	task [dreg:s6], $0x5FFFF  }
0xac: {  	[dreg:$0x1] =	wrdreg $0xFFFFFFFF  }
0xad: {  	[dreg:$0x0] =	wrdreg $0x60  }
0xae: {  	[dreg:$0x2] =	wrdreg s24  }
0xaf: {  	[dreg:$0x3] =	wrdreg $0x9  }
0xb0: {  	_ =	task.clear_ibuf [dreg:s6], $0x4FFFF;
	_ =	strace $0x90000049  }
0xb1: {  	s29 =	simm.s32 $0x9;
	_ =	strace $0x8000004B  }
0xb2: {  	_ =	swait.ge [sflag:s29], $0x1  }
0xb3: {  	[sflag:s29] =	ssyncadd.s32 $0xFFFFFFFF  }
0xb4: {  	_ =	strace $0x9000004B  }
0xb5: {  	_ =	sfence  }
0xb6: {  	s30 =	sld [smem:$0x0];
	_ =	sdelay $0x2  }
0xb7: {  	s31 =	sshll.u32 s1, $0xD;
	s1 =	sshrl.u32 s1, $0x2  }
0xb8: {  	s3 =	sand.u32 $0x4000, s31;
	s1 =	sadd.s32 s1, s30  }
0xb9: {  	s0 =	sor.u32 s3, s0;
	s1 =	sshll.u32 s1, $0x11  }
0xba: {  	s0 =	sor.u32 s1, s0  }
0xbb: {  	s0 =	sadd.s32 $0x8F2B, s0  }
0xbc: {  	[sflag:s0] =	ssyncadd.remote.s32 $0x1  }
0xbd: {  	_ =	sfence.sel $0xFFFF  }
0xbe: {  	[dreg:$0x0] =	wrdreg $0xFFFFFFFF;
	(pc) =	sbr.abs _section_cstart, $3  }
0xbf: {  	[dreg:$0x1] =	wrdreg $0xFFFFFFFF  }
0xc0: {  	_ =	task.clear_ibuf [dreg:s6], $0x2FFFF;
	_ =	strace $0x9FFFFFFF  }
0xc1: {  	(tm) =	ssettm $0x7FFFFFFF  }
tec
execute0_lowered:
.L_overlay_start_1:
0x0: {  	(tag) =	ssettag $0x1  }
0x1: {  	s0 =	rddreg [dreg:$0x0];
	s1 =	srdreg.scid  }
0x2: {  	s2 =	simm.s32 $0x0;
	s3 =	stileid.u32;
	s18 =	simm.s32 $0x1  }
0x3: {  	s20 =	simm.s32 $0x880;
	s21 =	simm.s32 $0x1080;
	s22 =	simm.s32 $0x1880  }
0x4: {  	s23 =	simm.s32 $0x2080;
	s28 =	simm.s32 $0x4080;
	s29 =	simm.s32 $0x4880  }
0x5: {  	s30 =	simm.s32 $0x5080;
	s31 =	simm.s32 $0x5880;
	s11 =	simm.s32 $0x7880  }
0x6: {  	s12 =	simm.s32 $0x8080;
	s13 =	simm.s32 $0x8880;
	s14 =	simm.s32 $0x9080  }
0x7: {  	s15 =	simm.s32 $0x9880;
	s16 =	simm.s32 $0xA080;
	s17 =	simm.s32 $0xA880  }
0x8: {  	s1 =	sand.u32 $0x1, s1;
	[smem:$0x7FF] =	sst s2;
	s3 =	sshll.u32 s3, $0x8  }
0x9: {  	s6 =	sadd.s32 $0x9600, s0;
	s8 =	sadd.s32 $0x9800, s0;
	s4 =	sshll.u32 s1, $0x7  }
0xa: {  	_ =	strace $0x8000004A;
	s1 =	ssub.s32 $0x2, s1;
	s5 =	sor.u32 s4, s3  }
0xb: {  	s3 =	sadd.s32 $0x14D800, s0;
	s7 =	sshrl.u32 s1, $0x1;
	s4 =	sshrl.u32 s5, $0x3  }
0xc: {  	s1 =	ssub.s32 s1, s7;
	s24 =	sshll.u32 s5, $0x7;
	s9 =	sor.u32 $0x40, s5  }
0xd: {  	s5 =	sadd.s32 $0x14DA00, s0;
	s4 =	sadd.s32 s6, s4;
	s7 =	sadd.s32 s8, s24  }
0xe: {  	s10 =	sshrl.u32 s9, $0x3;
	s9 =	sshll.u32 s9, $0x7;
	[dreg:$0x2] =	wrdreg s4  }
0xf: {  	s24 =	simm.s32 $0x2880;
	s4 =	sadd.s32 $0x14D900, s0;
	[dreg:$0x3] =	wrdreg s7  }
0x10: {  	s25 =	sadd.s32 s6, s10;
	s6 =	sadd.s32 $0x14DB00, s0;
	s26 =	sadd.s32 s8, s9  }
0x11: {  	v2 =	vlaneseq.u32;
	s7 =	smax.u32 s1, $0x1;
	s8 =	simm.s32 $0x2;
	s0 =	simm.s32 $0x80  }
0x12: {  	vm0 =	vmmov $0xffff;
	v1 =	vshrl.u32 v2, $0x3;
	s10 =	simm.s32 $0x7080;
	s9 =	simm.s32 $0xB080;
	[dreg:$0x4] =	wrdreg s25  }
0x13: {  	v0 =	vand.u32 $0x7, v2;
	v2 =	vor.u32 $0x8, v2;
	v1 =	vmul.u32 $0x8, v1;
	[dreg:$0x5] =	wrdreg s26;
	s25 =	simm.s32 $0x3080;
	s26 =	simm.s32 $0x3880  }
.LBB2_1:
0x14: {  	s19 =	rddreg [dreg:$0x2]  }
0x15: {  	[tilespmem:s2], [sflag:$0x2] =	stream.linear.gather [hbm4b:s19+s2], $0x40, $0x38;
	[tilespmem:$0x10080] =	vst v63  }
0x16: {  	_ =	swait.ge [sflag:s8], $0x40  }
0x17: {  	[sflag:s8] =	ssyncset.done $0x0  }
0x18: {  	[sflag:s8] =	ssyncadd.s32 $0xFFFFFFC0  }
0x19: {  	v3 =	vld [tilespmem:$0x0];
	_ =	sdelay $0x4  }
0x1a: {  	v4 =	vshll.u32 v3, $0x3  }
0x1b: {  	v3 =	vand.u32 $0x7, v3;
	v4 =	vand.u32 $0xFFFFFFC0, v4  }
0x1c: {  	v3 =	vor.u32 v3, v4  }
0x1d: {  	v4 =	vperm.xlane v3, v0;
	_ =	sdelay $0x1  }
0x1e: {  	v4 =	vadd.s32 v1, v4;
	_ =	sdelay $0x4  }
0x1f: {  	[tilespmem:s0], [sflag:$0x1] =	stream.indirect_vreg.gather [hbm4b:s3+s2], $0x80, v4, vm0, $0xb8;
	[tilespmem:$0x10080] =	vst v63  }
0x20: {  	v3 =	vperm.xlane v3, v2  }
0x21: {  	[tilespmem:s20], [sflag:$0x1] =	stream.indirect_vreg.gather [hbm4b:s4+s2], $0x80, v4, vm0, $0xb8;
	[tilespmem:$0x10080] =	vst v63  }
0x22: {  	v3 =	vadd.s32 v1, v3  }
0x23: {  	[tilespmem:s21], [sflag:$0x1] =	stream.indirect_vreg.gather [hbm4b:s5+s2], $0x80, v4, vm0, $0xb8;
	[tilespmem:$0x10080] =	vst v63  }
0x24: {  	_ = 	snop  }
0x25: {  	[tilespmem:s22], [sflag:$0x1] =	stream.indirect_vreg.gather [hbm4b:s6+s2], $0x80, v4, vm0, $0xb8;
	[tilespmem:$0x10080] =	vst v63  }
0x26: {  	_ = 	snop  }
0x27: {  	[tilespmem:s23], [sflag:$0x1] =	stream.indirect_vreg.gather [hbm4b:s3+s2], $0x80, v3, vm0, $0xb8;
	[tilespmem:$0x10080] =	vst v63  }
0x28: {  	_ = 	snop  }
0x29: {  	[tilespmem:s24], [sflag:$0x1] =	stream.indirect_vreg.gather [hbm4b:s4+s2], $0x80, v3, vm0, $0xb8;
	[tilespmem:$0x10080] =	vst v63  }
0x2a: {  	_ = 	snop  }
0x2b: {  	[tilespmem:s25], [sflag:$0x1] =	stream.indirect_vreg.gather [hbm4b:s5+s2], $0x80, v3, vm0, $0xb8;
	[tilespmem:$0x10080] =	vst v63  }
0x2c: {  	_ = 	snop  }
0x2d: {  	[tilespmem:s26], [sflag:$0x1] =	stream.indirect_vreg.gather [hbm4b:s6+s2], $0x80, v3, vm0, $0xb8;
	[tilespmem:$0x10080] =	vst v63  }
0x2e: {  	v3 =	vld [tilespmem:$0x10];
	_ =	sdelay $0x4  }
0x2f: {  	v57 =	vshll.u32 v3, $0x3  }
0x30: {  	v3 =	vand.u32 $0x7, v3;
	v4 =	vand.u32 $0xFFFFFFC0, v57  }
0x31: {  	v3 =	vor.u32 v3, v4  }
0x32: {  	v4 =	vperm.xlane v3, v0;
	_ =	sdelay $0x1  }
0x33: {  	v4 =	vadd.s32 v1, v4;
	_ =	sdelay $0x4  }
0x34: {  	[tilespmem:s28], [sflag:$0x1] =	stream.indirect_vreg.gather [hbm4b:s3+s2], $0x80, v4, vm0, $0xb8;
	[tilespmem:$0x10080] =	vst v63  }
0x35: {  	v3 =	vperm.xlane v3, v2  }
0x36: {  	[tilespmem:s29], [sflag:$0x1] =	stream.indirect_vreg.gather [hbm4b:s4+s2], $0x80, v4, vm0, $0xb8;
	[tilespmem:$0x10080] =	vst v63  }
0x37: {  	v3 =	vadd.s32 v1, v3  }
0x38: {  	[tilespmem:s30], [sflag:$0x1] =	stream.indirect_vreg.gather [hbm4b:s5+s2], $0x80, v4, vm0, $0xb8;
	[tilespmem:$0x10080] =	vst v63  }
0x39: {  	_ = 	snop  }
0x3a: {  	[tilespmem:s31], [sflag:$0x1] =	stream.indirect_vreg.gather [hbm4b:s6+s2], $0x80, v4, vm0, $0xb8;
	[tilespmem:$0x10080] =	vst v63  }
0x3b: {  	s1 =	simm.s32 $0x6080  }
0x3c: {  	[tilespmem:s1], [sflag:$0x1] =	stream.indirect_vreg.gather [hbm4b:s3+s2], $0x80, v3, vm0, $0xb8;
	[tilespmem:$0x10080] =	vst v63  }
0x3d: {  	s1 =	simm.s32 $0x6880  }
0x3e: {  	[tilespmem:s1], [sflag:$0x1] =	stream.indirect_vreg.gather [hbm4b:s4+s2], $0x80, v3, vm0, $0xb8;
	[tilespmem:$0x10080] =	vst v63  }
0x3f: {  	_ = 	snop  }
0x40: {  	[tilespmem:s10], [sflag:$0x1] =	stream.indirect_vreg.gather [hbm4b:s5+s2], $0x80, v3, vm0, $0xb8;
	[tilespmem:$0x10080] =	vst v63  }
0x41: {  	_ = 	snop  }
0x42: {  	[tilespmem:s11], [sflag:$0x1] =	stream.indirect_vreg.gather [hbm4b:s6+s2], $0x80, v3, vm0, $0xb8;
	[tilespmem:$0x10080] =	vst v63  }
0x43: {  	v3 =	vld [tilespmem:$0x20];
	_ =	sdelay $0x4  }
0x44: {  	v58 =	vshll.u32 v3, $0x3  }
0x45: {  	v3 =	vand.u32 $0x7, v3;
	v4 =	vand.u32 $0xFFFFFFC0, v58  }
0x46: {  	v3 =	vor.u32 v3, v4  }
0x47: {  	v4 =	vperm.xlane v3, v0;
	_ =	sdelay $0x1  }
0x48: {  	v4 =	vadd.s32 v1, v4;
	_ =	sdelay $0x4  }
0x49: {  	[tilespmem:s12], [sflag:$0x1] =	stream.indirect_vreg.gather [hbm4b:s3+s2], $0x80, v4, vm0, $0xb8;
	[tilespmem:$0x10080] =	vst v63  }
0x4a: {  	v3 =	vperm.xlane v3, v2  }
0x4b: {  	[tilespmem:s13], [sflag:$0x1] =	stream.indirect_vreg.gather [hbm4b:s4+s2], $0x80, v4, vm0, $0xb8;
	[tilespmem:$0x10080] =	vst v63  }
0x4c: {  	v3 =	vadd.s32 v1, v3  }
0x4d: {  	[tilespmem:s14], [sflag:$0x1] =	stream.indirect_vreg.gather [hbm4b:s5+s2], $0x80, v4, vm0, $0xb8;
	[tilespmem:$0x10080] =	vst v63  }
0x4e: {  	_ = 	snop  }
0x4f: {  	[tilespmem:s15], [sflag:$0x1] =	stream.indirect_vreg.gather [hbm4b:s6+s2], $0x80, v4, vm0, $0xb8;
	[tilespmem:$0x10080] =	vst v63  }
0x50: {  	_ = 	snop  }
0x51: {  	[tilespmem:s16], [sflag:$0x1] =	stream.indirect_vreg.gather [hbm4b:s3+s2], $0x80, v3, vm0, $0xb8;
	[tilespmem:$0x10080] =	vst v63  }
0x52: {  	_ = 	snop  }
0x53: {  	[tilespmem:s17], [sflag:$0x1] =	stream.indirect_vreg.gather [hbm4b:s4+s2], $0x80, v3, vm0, $0xb8;
	[tilespmem:$0x10080] =	vst v63  }
0x54: {  	_ = 	snop  }
0x55: {  	[tilespmem:s9], [sflag:$0x1] =	stream.indirect_vreg.gather [hbm4b:s5+s2], $0x80, v3, vm0, $0xb8;
	[tilespmem:$0x10080] =	vst v63  }
0x56: {  	s19 =	simm.s32 $0xB880  }
0x57: {  	[tilespmem:s19], [sflag:$0x1] =	stream.indirect_vreg.gather [hbm4b:s6+s2], $0x80, v3, vm0, $0xb8;
	[tilespmem:$0x10080] =	vst v63  }
0x58: {  	v3 =	vld [tilespmem:$0x30];
	_ =	sdelay $0x4  }
0x59: {  	v59 =	vshll.u32 v3, $0x3  }
0x5a: {  	v3 =	vand.u32 $0x7, v3;
	v4 =	vand.u32 $0xFFFFFFC0, v59  }
0x5b: {  	v3 =	vor.u32 v3, v4  }
0x5c: {  	v4 =	vperm.xlane v3, v0;
	_ =	sdelay $0x1  }
0x5d: {  	v4 =	vadd.s32 v1, v4;
	_ =	sdelay $0x3  }
0x5e: {  	s19 =	simm.s32 $0xC080  }
0x5f: {  	[tilespmem:s19], [sflag:$0x1] =	stream.indirect_vreg.gather [hbm4b:s3+s2], $0x80, v4, vm0, $0xb8;
	[tilespmem:$0x10080] =	vst v63  }
0x60: {  	v3 =	vperm.xlane v3, v2;
	s19 =	simm.s32 $0xC880  }
0x61: {  	[tilespmem:s19], [sflag:$0x1] =	stream.indirect_vreg.gather [hbm4b:s4+s2], $0x80, v4, vm0, $0xb8;
	[tilespmem:$0x10080] =	vst v63  }
0x62: {  	v3 =	vadd.s32 v1, v3;
	s19 =	simm.s32 $0xD080  }
0x63: {  	[tilespmem:s19], [sflag:$0x1] =	stream.indirect_vreg.gather [hbm4b:s5+s2], $0x80, v4, vm0, $0xb8;
	[tilespmem:$0x10080] =	vst v63  }
0x64: {  	s19 =	simm.s32 $0xD880  }
0x65: {  	[tilespmem:s19], [sflag:$0x1] =	stream.indirect_vreg.gather [hbm4b:s6+s2], $0x80, v4, vm0, $0xb8;
	[tilespmem:$0x10080] =	vst v63  }
0x66: {  	s19 =	simm.s32 $0xE080  }
0x67: {  	[tilespmem:s19], [sflag:$0x1] =	stream.indirect_vreg.gather [hbm4b:s3+s2], $0x80, v3, vm0, $0xb8;
	[tilespmem:$0x10080] =	vst v63  }
0x68: {  	s19 =	simm.s32 $0xE880  }
0x69: {  	[tilespmem:s19], [sflag:$0x1] =	stream.indirect_vreg.gather [hbm4b:s4+s2], $0x80, v3, vm0, $0xb8;
	[tilespmem:$0x10080] =	vst v63  }
0x6a: {  	s19 =	simm.s32 $0xF080  }
0x6b: {  	[tilespmem:s19], [sflag:$0x1] =	stream.indirect_vreg.gather [hbm4b:s5+s2], $0x80, v3, vm0, $0xb8;
	[tilespmem:$0x10080] =	vst v63  }
0x6c: {  	s19 =	simm.s32 $0xF880  }
0x6d: {  	[tilespmem:s19], [sflag:$0x1] =	stream.indirect_vreg.gather [hbm4b:s6+s2], $0x80, v3, vm0, $0xb8;
	[tilespmem:$0x10080] =	vst v63  }
0x6e: {  	_ =	swait.ge [sflag:s18], $0x10000  }
0x6f: {  	[sflag:s18] =	ssyncset.done $0x0  }
0x70: {  	s19 =	rddreg [dreg:$0x3];
	[sflag:s18] =	ssyncadd.s32 $0xFFFF0000  }
0x71: {  	[hbm4b:s19+s2] =	stream.linear.scatter [tilespmem:s0], [sflag:$0x2], $0x10000, $0x38;
	[tilespmem:$0x10080] =	vst v63  }
0x72: {  	_ =	swait.ge [sflag:s8], $0x10000  }
0x73: {  	[sflag:s8] =	ssyncset.done $0x0  }
0x74: {  	s19 =	rddreg [dreg:$0x4];
	[sflag:s8] =	ssyncadd.s32 $0xFFFF0000  }
0x75: {  	[tilespmem:s2], [sflag:$0x2] =	stream.linear.gather [hbm4b:s19+s2], $0x40, $0x38;
	[tilespmem:$0x10080] =	vst v63  }
0x76: {  	_ =	swait.ge [sflag:s8], $0x40  }
0x77: {  	[sflag:s8] =	ssyncset.done $0x0  }
0x78: {  	[sflag:s8] =	ssyncadd.s32 $0xFFFFFFC0  }
0x79: {  	v3 =	vld [tilespmem:$0x0];
	_ =	sdelay $0x4  }
0x7a: {  	v60 =	vshll.u32 v3, $0x3  }
0x7b: {  	v3 =	vand.u32 $0x7, v3;
	v4 =	vand.u32 $0xFFFFFFC0, v60  }
0x7c: {  	v3 =	vor.u32 v3, v4  }
0x7d: {  	v4 =	vperm.xlane v3, v0;
	_ =	sdelay $0x1  }
0x7e: {  	v4 =	vadd.s32 v1, v4;
	_ =	sdelay $0x4  }
0x7f: {  	[tilespmem:s0], [sflag:$0x1] =	stream.indirect_vreg.gather [hbm4b:s3+s2], $0x80, v4, vm0, $0xb8;
	[tilespmem:$0x10080] =	vst v63  }
0x80: {  	v3 =	vperm.xlane v3, v2  }
0x81: {  	[tilespmem:s20], [sflag:$0x1] =	stream.indirect_vreg.gather [hbm4b:s4+s2], $0x80, v4, vm0, $0xb8;
	[tilespmem:$0x10080] =	vst v63  }
0x82: {  	v3 =	vadd.s32 v1, v3  }
0x83: {  	[tilespmem:s21], [sflag:$0x1] =	stream.indirect_vreg.gather [hbm4b:s5+s2], $0x80, v4, vm0, $0xb8;
	[tilespmem:$0x10080] =	vst v63  }
0x84: {  	_ = 	snop  }
0x85: {  	[tilespmem:s22], [sflag:$0x1] =	stream.indirect_vreg.gather [hbm4b:s6+s2], $0x80, v4, vm0, $0xb8;
	[tilespmem:$0x10080] =	vst v63  }
0x86: {  	_ = 	snop  }
0x87: {  	[tilespmem:s23], [sflag:$0x1] =	stream.indirect_vreg.gather [hbm4b:s3+s2], $0x80, v3, vm0, $0xb8;
	[tilespmem:$0x10080] =	vst v63  }
0x88: {  	_ = 	snop  }
0x89: {  	[tilespmem:s24], [sflag:$0x1] =	stream.indirect_vreg.gather [hbm4b:s4+s2], $0x80, v3, vm0, $0xb8;
	[tilespmem:$0x10080] =	vst v63  }
0x8a: {  	_ = 	snop  }
0x8b: {  	[tilespmem:s25], [sflag:$0x1] =	stream.indirect_vreg.gather [hbm4b:s5+s2], $0x80, v3, vm0, $0xb8;
	[tilespmem:$0x10080] =	vst v63  }
0x8c: {  	_ = 	snop  }
0x8d: {  	[tilespmem:s26], [sflag:$0x1] =	stream.indirect_vreg.gather [hbm4b:s6+s2], $0x80, v3, vm0, $0xb8;
	[tilespmem:$0x10080] =	vst v63  }
0x8e: {  	v3 =	vld [tilespmem:$0x10];
	_ =	sdelay $0x4  }
0x8f: {  	v61 =	vshll.u32 v3, $0x3  }
0x90: {  	v3 =	vand.u32 $0x7, v3;
	v4 =	vand.u32 $0xFFFFFFC0, v61  }
0x91: {  	v3 =	vor.u32 v3, v4  }
0x92: {  	v4 =	vperm.xlane v3, v0;
	_ =	sdelay $0x1  }
0x93: {  	v4 =	vadd.s32 v1, v4;
	_ =	sdelay $0x4  }
0x94: {  	[tilespmem:s28], [sflag:$0x1] =	stream.indirect_vreg.gather [hbm4b:s3+s2], $0x80, v4, vm0, $0xb8;
	[tilespmem:$0x10080] =	vst v63  }
0x95: {  	v3 =	vperm.xlane v3, v2  }
0x96: {  	[tilespmem:s29], [sflag:$0x1] =	stream.indirect_vreg.gather [hbm4b:s4+s2], $0x80, v4, vm0, $0xb8;
	[tilespmem:$0x10080] =	vst v63  }
0x97: {  	v3 =	vadd.s32 v1, v3  }
0x98: {  	[tilespmem:s30], [sflag:$0x1] =	stream.indirect_vreg.gather [hbm4b:s5+s2], $0x80, v4, vm0, $0xb8;
	[tilespmem:$0x10080] =	vst v63  }
0x99: {  	_ = 	snop  }
0x9a: {  	[tilespmem:s31], [sflag:$0x1] =	stream.indirect_vreg.gather [hbm4b:s6+s2], $0x80, v4, vm0, $0xb8;
	[tilespmem:$0x10080] =	vst v63  }
0x9b: {  	s19 =	simm.s32 $0x6080  }
0x9c: {  	[tilespmem:s19], [sflag:$0x1] =	stream.indirect_vreg.gather [hbm4b:s3+s2], $0x80, v3, vm0, $0xb8;
	[tilespmem:$0x10080] =	vst v63  }
0x9d: {  	_ = 	snop  }
0x9e: {  	[tilespmem:s1], [sflag:$0x1] =	stream.indirect_vreg.gather [hbm4b:s4+s2], $0x80, v3, vm0, $0xb8;
	[tilespmem:$0x10080] =	vst v63  }
0x9f: {  	_ = 	snop  }
0xa0: {  	[tilespmem:s10], [sflag:$0x1] =	stream.indirect_vreg.gather [hbm4b:s5+s2], $0x80, v3, vm0, $0xb8;
	[tilespmem:$0x10080] =	vst v63  }
0xa1: {  	_ = 	snop  }
0xa2: {  	[tilespmem:s11], [sflag:$0x1] =	stream.indirect_vreg.gather [hbm4b:s6+s2], $0x80, v3, vm0, $0xb8;
	[tilespmem:$0x10080] =	vst v63  }
0xa3: {  	v3 =	vld [tilespmem:$0x20];
	_ =	sdelay $0x4  }
0xa4: {  	v62 =	vshll.u32 v3, $0x3  }
0xa5: {  	v3 =	vand.u32 $0x7, v3;
	v4 =	vand.u32 $0xFFFFFFC0, v62  }
0xa6: {  	v3 =	vor.u32 v3, v4  }
0xa7: {  	v4 =	vperm.xlane v3, v0;
	_ =	sdelay $0x1  }
0xa8: {  	v4 =	vadd.s32 v1, v4;
	_ =	sdelay $0x4  }
0xa9: {  	[tilespmem:s12], [sflag:$0x1] =	stream.indirect_vreg.gather [hbm4b:s3+s2], $0x80, v4, vm0, $0xb8;
	[tilespmem:$0x10080] =	vst v63  }
0xaa: {  	v3 =	vperm.xlane v3, v2  }
0xab: {  	[tilespmem:s13], [sflag:$0x1] =	stream.indirect_vreg.gather [hbm4b:s4+s2], $0x80, v4, vm0, $0xb8;
	[tilespmem:$0x10080] =	vst v63  }
0xac: {  	v3 =	vadd.s32 v1, v3  }
0xad: {  	[tilespmem:s14], [sflag:$0x1] =	stream.indirect_vreg.gather [hbm4b:s5+s2], $0x80, v4, vm0, $0xb8;
	[tilespmem:$0x10080] =	vst v63  }
0xae: {  	_ = 	snop  }
0xaf: {  	[tilespmem:s15], [sflag:$0x1] =	stream.indirect_vreg.gather [hbm4b:s6+s2], $0x80, v4, vm0, $0xb8;
	[tilespmem:$0x10080] =	vst v63  }
0xb0: {  	_ = 	snop  }
0xb1: {  	[tilespmem:s16], [sflag:$0x1] =	stream.indirect_vreg.gather [hbm4b:s3+s2], $0x80, v3, vm0, $0xb8;
	[tilespmem:$0x10080] =	vst v63  }
0xb2: {  	_ = 	snop  }
0xb3: {  	[tilespmem:s17], [sflag:$0x1] =	stream.indirect_vreg.gather [hbm4b:s4+s2], $0x80, v3, vm0, $0xb8;
	[tilespmem:$0x10080] =	vst v63  }
0xb4: {  	_ = 	snop  }
0xb5: {  	[tilespmem:s9], [sflag:$0x1] =	stream.indirect_vreg.gather [hbm4b:s5+s2], $0x80, v3, vm0, $0xb8;
	[tilespmem:$0x10080] =	vst v63  }
0xb6: {  	s19 =	simm.s32 $0xB880  }
0xb7: {  	[tilespmem:s19], [sflag:$0x1] =	stream.indirect_vreg.gather [hbm4b:s6+s2], $0x80, v3, vm0, $0xb8;
	[tilespmem:$0x10080] =	vst v63  }
0xb8: {  	v3 =	vld [tilespmem:$0x30];
	_ =	sdelay $0x4  }
0xb9: {  	v63 =	vshll.u32 v3, $0x3  }
0xba: {  	v3 =	vand.u32 $0x7, v3;
	v4 =	vand.u32 $0xFFFFFFC0, v63  }
0xbb: {  	v3 =	vor.u32 v3, v4  }
0xbc: {  	v4 =	vperm.xlane v3, v0;
	_ =	sdelay $0x1  }
0xbd: {  	v4 =	vadd.s32 v1, v4;
	_ =	sdelay $0x3  }
0xbe: {  	s19 =	simm.s32 $0xC080  }
0xbf: {  	[tilespmem:s19], [sflag:$0x1] =	stream.indirect_vreg.gather [hbm4b:s3+s2], $0x80, v4, vm0, $0xb8;
	[tilespmem:$0x10080] =	vst v63  }
0xc0: {  	v3 =	vperm.xlane v3, v2;
	s19 =	simm.s32 $0xC880  }
0xc1: {  	[tilespmem:s19], [sflag:$0x1] =	stream.indirect_vreg.gather [hbm4b:s4+s2], $0x80, v4, vm0, $0xb8;
	[tilespmem:$0x10080] =	vst v63  }
0xc2: {  	v3 =	vadd.s32 v1, v3;
	s19 =	simm.s32 $0xD080  }
0xc3: {  	[tilespmem:s19], [sflag:$0x1] =	stream.indirect_vreg.gather [hbm4b:s5+s2], $0x80, v4, vm0, $0xb8;
	[tilespmem:$0x10080] =	vst v63  }
0xc4: {  	s19 =	simm.s32 $0xD880  }
0xc5: {  	[tilespmem:s19], [sflag:$0x1] =	stream.indirect_vreg.gather [hbm4b:s6+s2], $0x80, v4, vm0, $0xb8;
	[tilespmem:$0x10080] =	vst v63  }
0xc6: {  	s19 =	simm.s32 $0xE080  }
0xc7: {  	[tilespmem:s19], [sflag:$0x1] =	stream.indirect_vreg.gather [hbm4b:s3+s2], $0x80, v3, vm0, $0xb8;
	[tilespmem:$0x10080] =	vst v63  }
0xc8: {  	s19 =	simm.s32 $0xE880  }
0xc9: {  	[tilespmem:s19], [sflag:$0x1] =	stream.indirect_vreg.gather [hbm4b:s4+s2], $0x80, v3, vm0, $0xb8;
	[tilespmem:$0x10080] =	vst v63  }
0xca: {  	s19 =	simm.s32 $0xF080  }
0xcb: {  	[tilespmem:s19], [sflag:$0x1] =	stream.indirect_vreg.gather [hbm4b:s5+s2], $0x80, v3, vm0, $0xb8;
	[tilespmem:$0x10080] =	vst v63  }
0xcc: {  	s19 =	simm.s32 $0xF880  }
0xcd: {  	[tilespmem:s19], [sflag:$0x1] =	stream.indirect_vreg.gather [hbm4b:s6+s2], $0x80, v3, vm0, $0xb8;
	[tilespmem:$0x10080] =	vst v63  }
0xce: {  	_ =	swait.ge [sflag:s18], $0x10000  }
0xcf: {  	p0 =	sne.s32 s7, $0x1;
	[sflag:s18] =	ssyncset.done $0x0  }
.Ltmp0:
0xd0: {  	s1 =	rddreg [dreg:$0x5];
	[sflag:s18] =	ssyncadd.s32 $0xFFFF0000;
	(pc) =	sbr.rel @p0 .LBB2_1-.Ltmp0, $4  }
0xd1: {  	[hbm4b:s1+s2] =	stream.linear.scatter [tilespmem:s0], [sflag:$0x2], $0x10000, $0x38;
	[tilespmem:$0x10080] =	vst v63  }
0xd2: {  	_ =	swait.ge [sflag:s8], $0x10000  }
0xd3: {  	[sflag:s8] =	ssyncset.done $0x0  }
0xd4: {  	s7 =	sadd.s32 $0xFFFFFFFF, s7;
	[sflag:s8] =	ssyncadd.s32 $0xFFFF0000  }
0xd5: {  	_ =	sfence.sel $0x180000  }
0xd6: {  	[bflag:$0x0] =	sbarrier.arrive $0xFFFF  }
0xd7: {  	_ =	strace $0x9000004A  }
0xd8: {  	s0 =	stileid.u32;
	[bflag:$0x2] =	sbarrier.arrive $0xFFFF  }
0xd9: {  	p0 =	sne.s32 s0, $0x0;
	s0 =	rddreg [dreg:$0x1]  }
0xda: {  	s0 =	sadd.s32 @!p0 $0x100000, s0  }
0xdb: {  	[sflag:s0] =	ssyncadd.tile.s32 @!p0 $0x1;
	_ =	shalt  }
.Lfunc_end2:
_tile_overlayer_lowered:
.L_overlay_start_2:
0xdc: {  	(tag) =	ssettag $0x2  }
0xdd: {  	s0 =	rddreg [dreg:$0x0];
	s2 =	stileid.u32  }
0xde: {  	s1 =	rddreg [dreg:$0x1];
	p0 =	sne.s32 s2, $0x0  }
0xdf: {  	s3 =	rddreg [dreg:$0x2];
	[bflag:$0x3] =	sbarrier.arrive $0xFFFF;
	s2 =	simm.s32 @!p0 $0x1C02  }
0xe0: {  	[timem:s3], [sflag:s2] =	dma.local @!p0 [hbm:s0], s1  }
0xe1: {  	s0 =	simm.s32 @!p0 $0x2  }
0xe2: {  	_ =	swait.ge @!p0 [sflag:s0], s1  }
0xe3: {  	s1 =	ssub.s32 @!p0 $0x0, s1;
	[sflag:s0] =	ssyncset.done @!p0 $0x0  }
0xe4: {  	[sflag:s0] =	ssyncadd.s32 @!p0 s1  }
0xe5: {  	[bflag:$0x3] =	sbarrier.arrive $0xFFFF  }
0xe6: {  	_ =	shalt  }

// kernel: kernel.9.cloned.1.call-start
scs
__scs_entry_jumppad:
0x0: {  	(pc) =	sbr.rel $0x88, $3  }
0x1: {  	(tag) =	ssettag $0x0;
	lr =	simm.s32 $0x1  }
0x2: {  	[smem:$0x3F99] =	sst lr;
	_ =	strace $0xD0000000  }
0x3: {  	_ = 	snop  }
0x4: {  	_ = 	snop  }
0x5: {  	_ = 	snop  }
0x6: {  	_ = 	snop  }
0x7: {  	_ = 	snop  }
__scs_overlays_trampoline_lowered:
0x8: {  	[smem:$0x3FA8] =	sst s0  }
0x9: {  	[smem:$0x3FA9] =	sst s1  }
0xa: {  	[smem:$0x3FAA] =	sst s2  }
0xb: {  	[smem:$0x3FAB] =	sst s3  }
0xc: {  	[smem:$0x3FAC] =	sst s4  }
0xd: {  	[smem:$0x3FAD] =	sst s5  }
0xe: {  	[smem:$0x3FAE] =	sst s6  }
0xf: {  	[smem:$0x3FAF] =	sst s7  }
0x10: {  	[smem:$0x3FB0] =	sst s8  }
0x11: {  	[smem:$0x3FB1] =	sst s9;
	s0 =	simm.s32 @!p0 $0x0  }
0x12: {  	s1 =	sld [smem:$0x3F97];
	s0 =	simm.s32 @p0 $0x1  }
0x13: {  	[smem:$0x3FB2] =	sst s0;
	s0 =	simm.s32 @!p1 $0x0  }
0x14: {  	s2 =	sld [smem:$0x3F96];
	s0 =	simm.s32 @p1 $0x1  }
0x15: {  	[smem:$0x3FB3] =	sst s0;
	s0 =	simm.s32 @!p2 $0x0  }
0x16: {  	s3 =	sld [smem:$0x3FDB];
	s0 =	simm.s32 @p2 $0x1  }
0x17: {  	s4 =	simm.s32 $0x1BF5;
	[smem:$0x3FB5] =	sst s0  }
0x18: {  	s0 =	sld [smem:$0x3F98];
	_ =	swait.ge [sflag:s4], $0x0  }
0x19: {  	s7 =	sld [smem:$0x3F99]  }
0x1a: {  	s8 =	sadd.s32 $0xFFFFE003, lr  }
0x1b: {  	s9 =	sadd.s32 $0xFFFFFEF7, lr;
	s5 =	simm.s32 $0xFFFFFFFF;
	p2 =	slt.u32 s8, $0xFFFFF086  }
0x1c: {  	p1 =	slt.u32 s9, $0xF7A;
	s5 =	simm.s32 @!p2 $0x0  }
0x1d: {  	s5 =	simm.s32 @p1 $0x1;
	p0 =	seq.s32 s7, s2  }
0x1e: {  	s7 =	smul.u32 @!p0 $0xF7A, s2;
	p2 =	seq.s32 @!p0 s5, $0x0  }
0x1f: {  	s9 =	smul.u32 $0xF7A, s1;
	s8 =	simm.s32 @!p0 $0x1BF5;
	p2 =	por !p2, p0  }
0x20: {  	[sflag:s8] =	ssyncset.s32 @!p0 $0xFFFFF086;
	s6 =	sadd.s32 @!p0 s3, s7;
	s7 =	simm.s32 @!p0 $0x108  }
0x21: {  	s3 =	sadd.s32 s3, s9;
	s6 =	sadd.s32 @!p0 $0x88, s6;
	s7 =	simm.s32 @p2 $0x1082  }
0x22: {  	[simem:s7], [sflag:s8] =	dma.local @!p0 [hbm:s6], $0xF7A  }
0x23: {  	s9 =	sor.u32 $0xD0000000, s2;
	s6 =	simm.s32 $0x108;
	_ =	swait.ge @!p0 [sflag:s8], $0x0  }
0x24: {  	s3 =	sadd.s32 $0x88, s3;
	s6 =	simm.s32 @!p1 $0x1082;
	[sflag:s4] =	ssyncset.s32 $0xFFFFF086  }
0x25: {  	[simem:s6], [sflag:s4] =	dma.local [hbm:s3], $0xF7A  }
0x26: {  	[smem:$0x3F99] =	sst s1;
	(tag) =	ssettag s2;
	_ =	strace s9  }
0x27: {  	s1 =	sld [smem:$0x3FA9]  }
0x28: {  	s2 =	sld [smem:$0x3FAA]  }
0x29: {  	s4 =	sld [smem:$0x3FAC]  }
0x2a: {  	p0 =	seq.s32 s5, $0x0;
	s5 =	sld [smem:$0x3FAD]  }
0x2b: {  	s6 =	sld [smem:$0x3FAE]  }
0x2c: {  	s7 =	sld [smem:$0x3FAF]  }
0x2d: {  	s3 =	simm.s32 $0x108;
	s8 =	sld [smem:$0x3FB0]  }
0x2e: {  	s3 =	simm.s32 @!p0 $0x1082;
	s9 =	sld [smem:$0x3FB1]  }
0x2f: {  	lr =	sadd.s32 s0, s3;
	s0 =	sld [smem:$0x3FA8]  }
0x30: {  	s3 =	sld [smem:$0x3FAB]  }
0x31: {  	[smem:$0x3FB4] =	sst s10  }
0x32: {  	s10 =	sld [smem:$0x3FB2];
	_ =	sdelay $0x3  }
0x33: {  	p0 =	seq.s32 s10, $0x1;
	s10 =	sld [smem:$0x3FB4];
	_ =	sdelay $0x3  }
0x34: {  	[smem:$0x3FB4] =	sst s10  }
0x35: {  	s10 =	sld [smem:$0x3FB3];
	_ =	sdelay $0x3  }
0x36: {  	p1 =	seq.s32 s10, $0x1;
	s10 =	sld [smem:$0x3FB4];
	_ =	sdelay $0x3  }
0x37: {  	[smem:$0x3FB4] =	sst s10  }
0x38: {  	s10 =	sld [smem:$0x3FB5]  }
0x39: {  	_ = 	snop;
	(pc) =	sbr.ind lr, $3  }
0x3a: {  	_ = 	snop  }
0x3b: {  	_ = 	snop  }
0x3c: {  	p2 =	seq.s32 s10, $0x1;
	s10 =	sld [smem:$0x3FB4]  }
0x3d: {  	_ =	shalt  }
0x3e: {  	_ =	shalt  }
0x3f: {  	_ =	shalt  }
0x40: {  	_ =	shalt  }
0x41: {  	_ =	shalt  }
0x42: {  	_ =	shalt  }
0x43: {  	_ =	shalt  }
0x44: {  	_ =	shalt  }
0x45: {  	_ =	shalt  }
0x46: {  	_ =	shalt  }
0x47: {  	_ =	shalt  }
0x48: {  	_ =	shalt  }
0x49: {  	_ =	shalt  }
0x4a: {  	_ =	shalt  }
0x4b: {  	_ =	shalt  }
0x4c: {  	_ =	shalt  }
0x4d: {  	_ =	shalt  }
0x4e: {  	_ =	shalt  }
0x4f: {  	_ =	shalt  }
0x50: {  	_ =	shalt  }
0x51: {  	_ =	shalt  }
0x52: {  	_ =	shalt  }
0x53: {  	_ =	shalt  }
0x54: {  	_ =	shalt  }
0x55: {  	_ =	shalt  }
0x56: {  	_ =	shalt  }
0x57: {  	_ =	shalt  }
0x58: {  	_ =	shalt  }
0x59: {  	_ =	shalt  }
0x5a: {  	_ =	shalt  }
0x5b: {  	_ =	shalt  }
0x5c: {  	_ =	shalt  }
0x5d: {  	_ =	shalt  }
0x5e: {  	_ =	shalt  }
0x5f: {  	_ =	shalt  }
0x60: {  	_ =	shalt  }
0x61: {  	_ =	shalt  }
0x62: {  	_ =	shalt  }
0x63: {  	_ =	shalt  }
0x64: {  	_ =	shalt  }
0x65: {  	_ =	shalt  }
0x66: {  	_ =	shalt  }
0x67: {  	_ =	shalt  }
0x68: {  	_ =	shalt  }
0x69: {  	_ =	shalt  }
0x6a: {  	_ =	shalt  }
0x6b: {  	_ =	shalt  }
0x6c: {  	_ =	shalt  }
0x6d: {  	_ =	shalt  }
0x6e: {  	_ =	shalt  }
0x6f: {  	_ =	shalt  }
0x70: {  	_ =	shalt  }
0x71: {  	_ =	shalt  }
0x72: {  	_ =	shalt  }
0x73: {  	_ =	shalt  }
0x74: {  	_ =	shalt  }
0x75: {  	_ =	shalt  }
0x76: {  	_ =	shalt  }
0x77: {  	_ =	shalt  }
0x78: {  	_ =	shalt  }
0x79: {  	_ =	shalt  }
0x7a: {  	_ =	shalt  }
0x7b: {  	_ =	shalt  }
0x7c: {  	_ =	shalt  }
0x7d: {  	_ =	shalt  }
0x7e: {  	_ =	shalt  }
0x7f: {  	_ =	shalt  }
0x80: {  	_ =	shalt  }
0x81: {  	_ =	shalt  }
0x82: {  	_ =	shalt  }
0x83: {  	_ =	shalt  }
0x84: {  	_ =	shalt  }
0x85: {  	_ =	shalt  }
0x86: {  	_ =	shalt  }
0x87: {  	_ =	shalt  }
.Lfunc_end0:
.L_simem_size_0:
called_computation_lowered:
.L_overlay_start_0:
0x88: {  	s2 =	sld [smem:$0x3FD9]  }
0x89: {  	s3 =	sld [smem:$0x3FFE];
	_ =	sdelay $0x1  }
0x8a: {  	s1 =	srdreg.scid  }
0x8b: {  	s0 =	sand.u32 $0x1, s1  }
0x8c: {  	s17 =	sshll.u32 s0, $0xA;
	s2 =	sadd.s32 s3, s2  }
0x8d: {  	s2 =	sadd.s32 s2, s17  }
0x8e: {  	[smem:$0x3FC0] =	sst s2  }
0x8f: {  	_ = 	snop  }
0x90: {  	s2 =	sld [smem:$0x3FC9];
	(tm) =	ssettm $0x1  }
0x91: {  	s18 =	sld [smem:$0x3FFB];
	_ =	sdelay $0x3  }
0x92: {  	_ =	strace s18  }
0x93: {  	s3 =	sld [smem:$0x3FFC];
	_ =	sdelay $0x3  }
0x94: {  	_ =	strace s3  }
0x95: {  	s3 =	sld [smem:$0x3FFD];
	_ =	sdelay $0x3  }
0x96: {  	_ =	strace s3  }
0x97: {  	_ =	strace $0x8FFFFFFF  }
0x98: {  	s19 =	sld [smem:$0x3FDB];
	_ =	sdelay $0x1  }
0x99: {  	s4 =	simm.s32 $_scs_section_size  }
0x9a: {  	s5 =	simm.s32 $_size__tile_overlayer_lowered;
	s6 =	simm.s32 $_tile_overlayer_lowered  }
0x9b: {  	s22 =	simm.s32 $0x1BFF;
	s21 =	sshll.u32 s6, $0x1;
	s3 =	sadd.s32 s4, s19  }
0x9c: {  	s7 =	simm.s32 $0x0;
	s20 =	sshll.u32 s5, $0x1;
	s5 =	sadd.s32 s21, s3  }
0x9d: {  	[timem:s7], [sflag:s22] =	dma.local [hbm:s5], s20  }
0x9e: {  	_ =	swait.ge [sflag:s22], s20  }
0x9f: {  	s4 =	ssub.s32 $0x0, s20;
	[sflag:s22] =	ssyncset.done $0x0  }
0xa0: {  	[sflag:s22] =	ssyncadd.s32 s4;
	_ =	sdelay $0x1  }
0xa1: {  	s23 =	simm.s32 $0x1B8B  }
0xa2: {  	_ =	swait.ge [sflag:s23], $0x1  }
0xa3: {  	[sflag:s23] =	ssyncset.done $0x0  }
0xa4: {  	s25 =	simm.s32 $0x1B8E;
	s24 =	sld [smem:$0x3FFE];
	[sflag:s23] =	ssyncadd.s32 $0xFFFFFFFF  }
0xa5: {  	s26 =	simm.s32 $execute0_lowered;
	[smem:$0x3FD2] =	sst s25  }
0xa6: {  	s5 =	sshll.u32 s26, $0x1;
	_ =	strace $0x80000046;
	[dreg:$0x1] =	wrdreg $0xFFFFFFFF  }
0xa7: {  	s28 =	simm.s32 $_size_execute0_lowered;
	s3 =	sadd.s32 s3, s5;
	[dreg:$0x0] =	wrdreg $0x0  }
0xa8: {  	s5 =	sshll.u32 s28, $0x1;
	[dreg:$0x2] =	wrdreg s3  }
0xa9: {  	[dreg:$0x3] =	wrdreg s5  }
0xaa: {  	[dreg:$0x4] =	wrdreg $0xC0  }
0xab: {  	_ =	task [dreg:s7], $0x5FFFF  }
0xac: {  	[dreg:$0x1] =	wrdreg $0xFFFFFFFF  }
0xad: {  	[dreg:$0x0] =	wrdreg $0x60  }
0xae: {  	[dreg:$0x2] =	wrdreg s2  }
0xaf: {  	[dreg:$0x3] =	wrdreg s24  }
0xb0: {  	[dreg:$0x4] =	wrdreg $0x9  }
0xb1: {  	_ =	task.clear_ibuf [dreg:s7], $0x5FFFF;
	_ =	strace $0x90000046  }
0xb2: {  	s29 =	simm.s32 $0x9;
	_ =	strace $0x80000048  }
0xb3: {  	_ =	swait.ge [sflag:s29], $0x1  }
0xb4: {  	[sflag:s29] =	ssyncadd.s32 $0xFFFFFFFF  }
0xb5: {  	_ =	strace $0x90000048  }
0xb6: {  	_ =	sfence  }
0xb7: {  	s30 =	sld [smem:$0x0];
	_ =	sdelay $0x2  }
0xb8: {  	s31 =	sshll.u32 s1, $0xD;
	s1 =	sshrl.u32 s1, $0x2  }
0xb9: {  	s3 =	sand.u32 $0x4000, s31;
	s1 =	sadd.s32 s1, s30  }
0xba: {  	s0 =	sor.u32 s3, s0;
	s1 =	sshll.u32 s1, $0x11  }
0xbb: {  	s0 =	sor.u32 s1, s0  }
0xbc: {  	s0 =	sadd.s32 $0x8F2B, s0  }
0xbd: {  	[sflag:s0] =	ssyncadd.remote.s32 $0x1  }
0xbe: {  	_ =	sfence.sel $0xFFFF  }
0xbf: {  	[dreg:$0x0] =	wrdreg $0xFFFFFFFF;
	(pc) =	sbr.abs _section_cstart, $3  }
0xc0: {  	[dreg:$0x1] =	wrdreg $0xFFFFFFFF  }
0xc1: {  	_ =	task.clear_ibuf [dreg:s7], $0x2FFFF;
	_ =	strace $0x9FFFFFFF  }
0xc2: {  	(tm) =	ssettm $0x7FFFFFFF  }
0xc3: {  	_ =	shalt  }
tec
execute0_lowered:
.L_overlay_start_1:
0x0: {  	(tag) =	ssettag $0x1  }
0x1: {  	s0 =	srdreg.scid;
	s1 =	rddreg [dreg:$0x0]  }
0x2: {  	s2 =	stileid.u32;
	s4 =	rddreg [dreg:$0x1];
	s9 =	simm.s32 $0x2  }
0x3: {  	s19 =	simm.s32 $0x1;
	s21 =	simm.s32 $0x880;
	s22 =	simm.s32 $0x1080  }
0x4: {  	s23 =	simm.s32 $0x1880;
	s28 =	simm.s32 $0x3880;
	s29 =	simm.s32 $0x4080  }
0x5: {  	s30 =	simm.s32 $0x4880;
	s31 =	simm.s32 $0x5080;
	s11 =	simm.s32 $0x7080  }
0x6: {  	s12 =	simm.s32 $0x7880;
	s13 =	simm.s32 $0x8080;
	s14 =	simm.s32 $0x8880  }
0x7: {  	s15 =	simm.s32 $0x9080;
	s16 =	simm.s32 $0x9880;
	s17 =	simm.s32 $0xA080  }
0x8: {  	s18 =	simm.s32 $0xA880;
	s10 =	simm.s32 $0xB080;
	s0 =	sand.u32 $0x1, s0  }
0x9: {  	s3 =	sshll.u32 s2, $0x8;
	s2 =	simm.s32 $0x0;
	s5 =	sshll.u32 s0, $0x7  }
0xa: {  	[smem:$0x7FF] =	sst s2;
	s0 =	ssub.s32 $0x2, s0;
	s5 =	sor.u32 s5, s3  }
0xb: {  	_ =	strace $0x80000047;
	s6 =	sshrl.u32 s0, $0x1;
	s3 =	sshrl.u32 s5, $0x3  }
0xc: {  	s5 =	sshll.u32 s5, $0x7;
	s0 =	ssub.s32 s0, s6;
	s7 =	sadd.s32 s3, s4  }
0xd: {  	s6 =	sadd.s32 $0x9A00, s4;
	s3 =	sadd.s32 $0x9800, s4;
	s8 =	sadd.s32 $0x9600, s7  }
0xe: {  	s5 =	sand.u32 $0x3C000, s5;
	s25 =	sadd.s32 $0x9608, s7;
	[dreg:$0x3] =	wrdreg s8  }
0xf: {  	s24 =	sadd.s32 s1, s5;
	s5 =	sadd.s32 $0x9900, s4;
	[dreg:$0x4] =	wrdreg s25  }
0x10: {  	v2 =	vlaneseq.u32;
	s7 =	sadd.s32 $0x9B00, s4;
	s1 =	simm.s32 $0x5880;
	[dreg:$0x6] =	wrdreg s24  }
0x11: {  	vm0 =	vmmov $0xffff;
	v1 =	vshrl.u32 v2, $0x3;
	s26 =	sadd.s32 $0x2000, s24;
	s8 =	smax.u32 s0, $0x1;
	s24 =	simm.s32 $0x2080  }
0x12: {  	v0 =	vand.u32 $0x7, v2;
	v2 =	vor.u32 $0x8, v2;
	v1 =	vmul.u32 $0x8, v1;
	s25 =	simm.s32 $0x2880;
	[dreg:$0x5] =	wrdreg s26;
	s26 =	simm.s32 $0x3080  }
.LBB2_1:
0x13: {  	s20 =	rddreg [dreg:$0x3]  }
0x14: {  	[tilespmem:s2], [sflag:$0x2] =	stream.linear.gather [hbm4b:s20+s2], $0x40, $0x38;
	[tilespmem:$0x10080] =	vst v63  }
0x15: {  	_ =	swait.ge [sflag:s9], $0x40  }
0x16: {  	[sflag:s9] =	ssyncset.done $0x0  }
0x17: {  	s0 =	simm.s32 $0x80;
	s4 =	rddreg [dreg:$0x6];
	[sflag:s9] =	ssyncadd.s32 $0xFFFFFFC0  }
0x18: {  	[tilespmem:s0], [sflag:$0x2] =	stream.linear.gather [hbm4b:s4+s2], $0x10000, $0x38;
	[tilespmem:$0x10080] =	vst v63  }
0x19: {  	_ =	swait.ge [sflag:s9], $0x10000  }
0x1a: {  	[sflag:s9] =	ssyncset.done $0x0  }
0x1b: {  	[sflag:s9] =	ssyncadd.s32 $0xFFFF0000  }
0x1c: {  	v3 =	vld [tilespmem:$0x0];
	_ =	sdelay $0x4  }
0x1d: {  	v4 =	vshll.u32 v3, $0x3  }
0x1e: {  	v3 =	vand.u32 $0x7, v3;
	v4 =	vand.u32 $0xFFFFFFC0, v4  }
0x1f: {  	v3 =	vor.u32 v3, v4  }
0x20: {  	v4 =	vperm.xlane v3, v0;
	_ =	sdelay $0x1  }
0x21: {  	v4 =	vadd.s32 v1, v4;
	_ =	sdelay $0x4  }
0x22: {  	[hbm4b:s3+s2] =	stream.indirect_vreg.scatter [tilespmem:s0], [sflag:$0x1], $0x80, v4, vm0, $0xb8;
	[tilespmem:$0x10080] =	vst v63  }
0x23: {  	v3 =	vperm.xlane v3, v2  }
0x24: {  	[hbm4b:s5+s2] =	stream.indirect_vreg.scatter [tilespmem:s21], [sflag:$0x1], $0x80, v4, vm0, $0xb8;
	[tilespmem:$0x10080] =	vst v63  }
0x25: {  	v3 =	vadd.s32 v1, v3  }
0x26: {  	[hbm4b:s6+s2] =	stream.indirect_vreg.scatter [tilespmem:s22], [sflag:$0x1], $0x80, v4, vm0, $0xb8;
	[tilespmem:$0x10080] =	vst v63  }
0x27: {  	_ = 	snop  }
0x28: {  	[hbm4b:s7+s2] =	stream.indirect_vreg.scatter [tilespmem:s23], [sflag:$0x1], $0x80, v4, vm0, $0xb8;
	[tilespmem:$0x10080] =	vst v63  }
0x29: {  	_ = 	snop  }
0x2a: {  	[hbm4b:s3+s2] =	stream.indirect_vreg.scatter [tilespmem:s24], [sflag:$0x1], $0x80, v3, vm0, $0xb8;
	[tilespmem:$0x10080] =	vst v63  }
0x2b: {  	_ = 	snop  }
0x2c: {  	[hbm4b:s5+s2] =	stream.indirect_vreg.scatter [tilespmem:s25], [sflag:$0x1], $0x80, v3, vm0, $0xb8;
	[tilespmem:$0x10080] =	vst v63  }
0x2d: {  	_ = 	snop  }
0x2e: {  	[hbm4b:s6+s2] =	stream.indirect_vreg.scatter [tilespmem:s26], [sflag:$0x1], $0x80, v3, vm0, $0xb8;
	[tilespmem:$0x10080] =	vst v63  }
0x2f: {  	_ = 	snop  }
0x30: {  	[hbm4b:s7+s2] =	stream.indirect_vreg.scatter [tilespmem:s28], [sflag:$0x1], $0x80, v3, vm0, $0xb8;
	[tilespmem:$0x10080] =	vst v63  }
0x31: {  	v3 =	vld [tilespmem:$0x10];
	_ =	sdelay $0x4  }
0x32: {  	v57 =	vshll.u32 v3, $0x3  }
0x33: {  	v3 =	vand.u32 $0x7, v3;
	v4 =	vand.u32 $0xFFFFFFC0, v57  }
0x34: {  	v3 =	vor.u32 v3, v4  }
0x35: {  	v4 =	vperm.xlane v3, v0;
	_ =	sdelay $0x1  }
0x36: {  	v4 =	vadd.s32 v1, v4;
	_ =	sdelay $0x4  }
0x37: {  	[hbm4b:s3+s2] =	stream.indirect_vreg.scatter [tilespmem:s29], [sflag:$0x1], $0x80, v4, vm0, $0xb8;
	[tilespmem:$0x10080] =	vst v63  }
0x38: {  	v3 =	vperm.xlane v3, v2  }
0x39: {  	[hbm4b:s5+s2] =	stream.indirect_vreg.scatter [tilespmem:s30], [sflag:$0x1], $0x80, v4, vm0, $0xb8;
	[tilespmem:$0x10080] =	vst v63  }
0x3a: {  	v3 =	vadd.s32 v1, v3  }
0x3b: {  	[hbm4b:s6+s2] =	stream.indirect_vreg.scatter [tilespmem:s31], [sflag:$0x1], $0x80, v4, vm0, $0xb8;
	[tilespmem:$0x10080] =	vst v63  }
0x3c: {  	_ = 	snop  }
0x3d: {  	[hbm4b:s7+s2] =	stream.indirect_vreg.scatter [tilespmem:s1], [sflag:$0x1], $0x80, v4, vm0, $0xb8;
	[tilespmem:$0x10080] =	vst v63  }
0x3e: {  	s4 =	simm.s32 $0x6080  }
0x3f: {  	[hbm4b:s3+s2] =	stream.indirect_vreg.scatter [tilespmem:s4], [sflag:$0x1], $0x80, v3, vm0, $0xb8;
	[tilespmem:$0x10080] =	vst v63  }
0x40: {  	s4 =	simm.s32 $0x6880  }
0x41: {  	[hbm4b:s5+s2] =	stream.indirect_vreg.scatter [tilespmem:s4], [sflag:$0x1], $0x80, v3, vm0, $0xb8;
	[tilespmem:$0x10080] =	vst v63  }
0x42: {  	_ = 	snop  }
0x43: {  	[hbm4b:s6+s2] =	stream.indirect_vreg.scatter [tilespmem:s11], [sflag:$0x1], $0x80, v3, vm0, $0xb8;
	[tilespmem:$0x10080] =	vst v63  }
0x44: {  	_ = 	snop  }
0x45: {  	[hbm4b:s7+s2] =	stream.indirect_vreg.scatter [tilespmem:s12], [sflag:$0x1], $0x80, v3, vm0, $0xb8;
	[tilespmem:$0x10080] =	vst v63  }
0x46: {  	v3 =	vld [tilespmem:$0x20];
	_ =	sdelay $0x4  }
0x47: {  	v58 =	vshll.u32 v3, $0x3  }
0x48: {  	v3 =	vand.u32 $0x7, v3;
	v4 =	vand.u32 $0xFFFFFFC0, v58  }
0x49: {  	v3 =	vor.u32 v3, v4  }
0x4a: {  	v4 =	vperm.xlane v3, v0;
	_ =	sdelay $0x1  }
0x4b: {  	v4 =	vadd.s32 v1, v4;
	_ =	sdelay $0x4  }
0x4c: {  	[hbm4b:s3+s2] =	stream.indirect_vreg.scatter [tilespmem:s13], [sflag:$0x1], $0x80, v4, vm0, $0xb8;
	[tilespmem:$0x10080] =	vst v63  }
0x4d: {  	v3 =	vperm.xlane v3, v2  }
0x4e: {  	[hbm4b:s5+s2] =	stream.indirect_vreg.scatter [tilespmem:s14], [sflag:$0x1], $0x80, v4, vm0, $0xb8;
	[tilespmem:$0x10080] =	vst v63  }
0x4f: {  	v3 =	vadd.s32 v1, v3  }
0x50: {  	[hbm4b:s6+s2] =	stream.indirect_vreg.scatter [tilespmem:s15], [sflag:$0x1], $0x80, v4, vm0, $0xb8;
	[tilespmem:$0x10080] =	vst v63  }
0x51: {  	_ = 	snop  }
0x52: {  	[hbm4b:s7+s2] =	stream.indirect_vreg.scatter [tilespmem:s16], [sflag:$0x1], $0x80, v4, vm0, $0xb8;
	[tilespmem:$0x10080] =	vst v63  }
0x53: {  	_ = 	snop  }
0x54: {  	[hbm4b:s3+s2] =	stream.indirect_vreg.scatter [tilespmem:s17], [sflag:$0x1], $0x80, v3, vm0, $0xb8;
	[tilespmem:$0x10080] =	vst v63  }
0x55: {  	_ = 	snop  }
0x56: {  	[hbm4b:s5+s2] =	stream.indirect_vreg.scatter [tilespmem:s18], [sflag:$0x1], $0x80, v3, vm0, $0xb8;
	[tilespmem:$0x10080] =	vst v63  }
0x57: {  	_ = 	snop  }
0x58: {  	[hbm4b:s6+s2] =	stream.indirect_vreg.scatter [tilespmem:s10], [sflag:$0x1], $0x80, v3, vm0, $0xb8;
	[tilespmem:$0x10080] =	vst v63  }
0x59: {  	s20 =	simm.s32 $0xB880  }
0x5a: {  	[hbm4b:s7+s2] =	stream.indirect_vreg.scatter [tilespmem:s20], [sflag:$0x1], $0x80, v3, vm0, $0xb8;
	[tilespmem:$0x10080] =	vst v63  }
0x5b: {  	v3 =	vld [tilespmem:$0x30];
	_ =	sdelay $0x4  }
0x5c: {  	v59 =	vshll.u32 v3, $0x3  }
0x5d: {  	v3 =	vand.u32 $0x7, v3;
	v4 =	vand.u32 $0xFFFFFFC0, v59  }
0x5e: {  	v3 =	vor.u32 v3, v4  }
0x5f: {  	v4 =	vperm.xlane v3, v0;
	_ =	sdelay $0x1  }
0x60: {  	v4 =	vadd.s32 v1, v4;
	_ =	sdelay $0x3  }
0x61: {  	s20 =	simm.s32 $0xC080  }
0x62: {  	[hbm4b:s3+s2] =	stream.indirect_vreg.scatter [tilespmem:s20], [sflag:$0x1], $0x80, v4, vm0, $0xb8;
	[tilespmem:$0x10080] =	vst v63  }
0x63: {  	v3 =	vperm.xlane v3, v2;
	s20 =	simm.s32 $0xC880  }
0x64: {  	[hbm4b:s5+s2] =	stream.indirect_vreg.scatter [tilespmem:s20], [sflag:$0x1], $0x80, v4, vm0, $0xb8;
	[tilespmem:$0x10080] =	vst v63  }
0x65: {  	v3 =	vadd.s32 v1, v3;
	s20 =	simm.s32 $0xD080  }
0x66: {  	[hbm4b:s6+s2] =	stream.indirect_vreg.scatter [tilespmem:s20], [sflag:$0x1], $0x80, v4, vm0, $0xb8;
	[tilespmem:$0x10080] =	vst v63  }
0x67: {  	s20 =	simm.s32 $0xD880  }
0x68: {  	[hbm4b:s7+s2] =	stream.indirect_vreg.scatter [tilespmem:s20], [sflag:$0x1], $0x80, v4, vm0, $0xb8;
	[tilespmem:$0x10080] =	vst v63  }
0x69: {  	s20 =	simm.s32 $0xE080  }
0x6a: {  	[hbm4b:s3+s2] =	stream.indirect_vreg.scatter [tilespmem:s20], [sflag:$0x1], $0x80, v3, vm0, $0xb8;
	[tilespmem:$0x10080] =	vst v63  }
0x6b: {  	s20 =	simm.s32 $0xE880  }
0x6c: {  	[hbm4b:s5+s2] =	stream.indirect_vreg.scatter [tilespmem:s20], [sflag:$0x1], $0x80, v3, vm0, $0xb8;
	[tilespmem:$0x10080] =	vst v63  }
0x6d: {  	s20 =	simm.s32 $0xF080  }
0x6e: {  	[hbm4b:s6+s2] =	stream.indirect_vreg.scatter [tilespmem:s20], [sflag:$0x1], $0x80, v3, vm0, $0xb8;
	[tilespmem:$0x10080] =	vst v63  }
0x6f: {  	s20 =	simm.s32 $0xF880  }
0x70: {  	[hbm4b:s7+s2] =	stream.indirect_vreg.scatter [tilespmem:s20], [sflag:$0x1], $0x80, v3, vm0, $0xb8;
	[tilespmem:$0x10080] =	vst v63  }
0x71: {  	_ =	swait.ge [sflag:s19], $0x10000  }
0x72: {  	[sflag:s19] =	ssyncset.done $0x0  }
0x73: {  	s20 =	rddreg [dreg:$0x4];
	[sflag:s19] =	ssyncadd.s32 $0xFFFF0000  }
0x74: {  	[tilespmem:s2], [sflag:$0x2] =	stream.linear.gather [hbm4b:s20+s2], $0x40, $0x38;
	[tilespmem:$0x10080] =	vst v63  }
0x75: {  	_ =	swait.ge [sflag:s9], $0x40  }
0x76: {  	[sflag:s9] =	ssyncset.done $0x0  }
0x77: {  	s20 =	rddreg [dreg:$0x5];
	[sflag:s9] =	ssyncadd.s32 $0xFFFFFFC0  }
0x78: {  	[tilespmem:s0], [sflag:$0x2] =	stream.linear.gather [hbm4b:s20+s2], $0x10000, $0x38;
	[tilespmem:$0x10080] =	vst v63  }
0x79: {  	_ =	swait.ge [sflag:s9], $0x10000  }
0x7a: {  	[sflag:s9] =	ssyncset.done $0x0  }
0x7b: {  	[sflag:s9] =	ssyncadd.s32 $0xFFFF0000  }
0x7c: {  	v3 =	vld [tilespmem:$0x0];
	_ =	sdelay $0x4  }
0x7d: {  	v60 =	vshll.u32 v3, $0x3  }
0x7e: {  	v3 =	vand.u32 $0x7, v3;
	v4 =	vand.u32 $0xFFFFFFC0, v60  }
0x7f: {  	v3 =	vor.u32 v3, v4  }
0x80: {  	v4 =	vperm.xlane v3, v0;
	_ =	sdelay $0x1  }
0x81: {  	v4 =	vadd.s32 v1, v4;
	_ =	sdelay $0x4  }
0x82: {  	[hbm4b:s3+s2] =	stream.indirect_vreg.scatter [tilespmem:s0], [sflag:$0x1], $0x80, v4, vm0, $0xb8;
	[tilespmem:$0x10080] =	vst v63  }
0x83: {  	v3 =	vperm.xlane v3, v2  }
0x84: {  	[hbm4b:s5+s2] =	stream.indirect_vreg.scatter [tilespmem:s21], [sflag:$0x1], $0x80, v4, vm0, $0xb8;
	[tilespmem:$0x10080] =	vst v63  }
0x85: {  	v3 =	vadd.s32 v1, v3  }
0x86: {  	[hbm4b:s6+s2] =	stream.indirect_vreg.scatter [tilespmem:s22], [sflag:$0x1], $0x80, v4, vm0, $0xb8;
	[tilespmem:$0x10080] =	vst v63  }
0x87: {  	_ = 	snop  }
0x88: {  	[hbm4b:s7+s2] =	stream.indirect_vreg.scatter [tilespmem:s23], [sflag:$0x1], $0x80, v4, vm0, $0xb8;
	[tilespmem:$0x10080] =	vst v63  }
0x89: {  	_ = 	snop  }
0x8a: {  	[hbm4b:s3+s2] =	stream.indirect_vreg.scatter [tilespmem:s24], [sflag:$0x1], $0x80, v3, vm0, $0xb8;
	[tilespmem:$0x10080] =	vst v63  }
0x8b: {  	_ = 	snop  }
0x8c: {  	[hbm4b:s5+s2] =	stream.indirect_vreg.scatter [tilespmem:s25], [sflag:$0x1], $0x80, v3, vm0, $0xb8;
	[tilespmem:$0x10080] =	vst v63  }
0x8d: {  	_ = 	snop  }
0x8e: {  	[hbm4b:s6+s2] =	stream.indirect_vreg.scatter [tilespmem:s26], [sflag:$0x1], $0x80, v3, vm0, $0xb8;
	[tilespmem:$0x10080] =	vst v63  }
0x8f: {  	_ = 	snop  }
0x90: {  	[hbm4b:s7+s2] =	stream.indirect_vreg.scatter [tilespmem:s28], [sflag:$0x1], $0x80, v3, vm0, $0xb8;
	[tilespmem:$0x10080] =	vst v63  }
0x91: {  	v3 =	vld [tilespmem:$0x10];
	_ =	sdelay $0x4  }
0x92: {  	v61 =	vshll.u32 v3, $0x3  }
0x93: {  	v3 =	vand.u32 $0x7, v3;
	v4 =	vand.u32 $0xFFFFFFC0, v61  }
0x94: {  	v3 =	vor.u32 v3, v4  }
0x95: {  	v4 =	vperm.xlane v3, v0;
	_ =	sdelay $0x1  }
0x96: {  	v4 =	vadd.s32 v1, v4;
	_ =	sdelay $0x4  }
0x97: {  	[hbm4b:s3+s2] =	stream.indirect_vreg.scatter [tilespmem:s29], [sflag:$0x1], $0x80, v4, vm0, $0xb8;
	[tilespmem:$0x10080] =	vst v63  }
0x98: {  	v3 =	vperm.xlane v3, v2  }
0x99: {  	[hbm4b:s5+s2] =	stream.indirect_vreg.scatter [tilespmem:s30], [sflag:$0x1], $0x80, v4, vm0, $0xb8;
	[tilespmem:$0x10080] =	vst v63  }
0x9a: {  	v3 =	vadd.s32 v1, v3  }
0x9b: {  	[hbm4b:s6+s2] =	stream.indirect_vreg.scatter [tilespmem:s31], [sflag:$0x1], $0x80, v4, vm0, $0xb8;
	[tilespmem:$0x10080] =	vst v63  }
0x9c: {  	_ = 	snop  }
0x9d: {  	[hbm4b:s7+s2] =	stream.indirect_vreg.scatter [tilespmem:s1], [sflag:$0x1], $0x80, v4, vm0, $0xb8;
	[tilespmem:$0x10080] =	vst v63  }
0x9e: {  	s20 =	simm.s32 $0x6080  }
0x9f: {  	[hbm4b:s3+s2] =	stream.indirect_vreg.scatter [tilespmem:s20], [sflag:$0x1], $0x80, v3, vm0, $0xb8;
	[tilespmem:$0x10080] =	vst v63  }
0xa0: {  	_ = 	snop  }
0xa1: {  	[hbm4b:s5+s2] =	stream.indirect_vreg.scatter [tilespmem:s4], [sflag:$0x1], $0x80, v3, vm0, $0xb8;
	[tilespmem:$0x10080] =	vst v63  }
0xa2: {  	_ = 	snop  }
0xa3: {  	[hbm4b:s6+s2] =	stream.indirect_vreg.scatter [tilespmem:s11], [sflag:$0x1], $0x80, v3, vm0, $0xb8;
	[tilespmem:$0x10080] =	vst v63  }
0xa4: {  	_ = 	snop  }
0xa5: {  	[hbm4b:s7+s2] =	stream.indirect_vreg.scatter [tilespmem:s12], [sflag:$0x1], $0x80, v3, vm0, $0xb8;
	[tilespmem:$0x10080] =	vst v63  }
0xa6: {  	v3 =	vld [tilespmem:$0x20];
	_ =	sdelay $0x4  }
0xa7: {  	v62 =	vshll.u32 v3, $0x3  }
0xa8: {  	v3 =	vand.u32 $0x7, v3;
	v4 =	vand.u32 $0xFFFFFFC0, v62  }
0xa9: {  	v3 =	vor.u32 v3, v4  }
0xaa: {  	v4 =	vperm.xlane v3, v0;
	_ =	sdelay $0x1  }
0xab: {  	v4 =	vadd.s32 v1, v4;
	_ =	sdelay $0x4  }
0xac: {  	[hbm4b:s3+s2] =	stream.indirect_vreg.scatter [tilespmem:s13], [sflag:$0x1], $0x80, v4, vm0, $0xb8;
	[tilespmem:$0x10080] =	vst v63  }
0xad: {  	v3 =	vperm.xlane v3, v2  }
0xae: {  	[hbm4b:s5+s2] =	stream.indirect_vreg.scatter [tilespmem:s14], [sflag:$0x1], $0x80, v4, vm0, $0xb8;
	[tilespmem:$0x10080] =	vst v63  }
0xaf: {  	v3 =	vadd.s32 v1, v3  }
0xb0: {  	[hbm4b:s6+s2] =	stream.indirect_vreg.scatter [tilespmem:s15], [sflag:$0x1], $0x80, v4, vm0, $0xb8;
	[tilespmem:$0x10080] =	vst v63  }
0xb1: {  	_ = 	snop  }
0xb2: {  	[hbm4b:s7+s2] =	stream.indirect_vreg.scatter [tilespmem:s16], [sflag:$0x1], $0x80, v4, vm0, $0xb8;
	[tilespmem:$0x10080] =	vst v63  }
0xb3: {  	_ = 	snop  }
0xb4: {  	[hbm4b:s3+s2] =	stream.indirect_vreg.scatter [tilespmem:s17], [sflag:$0x1], $0x80, v3, vm0, $0xb8;
	[tilespmem:$0x10080] =	vst v63  }
0xb5: {  	_ = 	snop  }
0xb6: {  	[hbm4b:s5+s2] =	stream.indirect_vreg.scatter [tilespmem:s18], [sflag:$0x1], $0x80, v3, vm0, $0xb8;
	[tilespmem:$0x10080] =	vst v63  }
0xb7: {  	_ = 	snop  }
0xb8: {  	[hbm4b:s6+s2] =	stream.indirect_vreg.scatter [tilespmem:s10], [sflag:$0x1], $0x80, v3, vm0, $0xb8;
	[tilespmem:$0x10080] =	vst v63  }
0xb9: {  	s20 =	simm.s32 $0xB880  }
0xba: {  	[hbm4b:s7+s2] =	stream.indirect_vreg.scatter [tilespmem:s20], [sflag:$0x1], $0x80, v3, vm0, $0xb8;
	[tilespmem:$0x10080] =	vst v63  }
0xbb: {  	v3 =	vld [tilespmem:$0x30];
	_ =	sdelay $0x4  }
0xbc: {  	v63 =	vshll.u32 v3, $0x3  }
0xbd: {  	v3 =	vand.u32 $0x7, v3;
	v4 =	vand.u32 $0xFFFFFFC0, v63  }
0xbe: {  	v3 =	vor.u32 v3, v4  }
0xbf: {  	v4 =	vperm.xlane v3, v0;
	_ =	sdelay $0x1  }
0xc0: {  	v4 =	vadd.s32 v1, v4;
	_ =	sdelay $0x3  }
0xc1: {  	s4 =	simm.s32 $0xC080  }
0xc2: {  	[hbm4b:s3+s2] =	stream.indirect_vreg.scatter [tilespmem:s4], [sflag:$0x1], $0x80, v4, vm0, $0xb8;
	[tilespmem:$0x10080] =	vst v63  }
0xc3: {  	s20 =	simm.s32 $0xC880;
	v3 =	vperm.xlane v3, v2  }
0xc4: {  	[hbm4b:s5+s2] =	stream.indirect_vreg.scatter [tilespmem:s20], [sflag:$0x1], $0x80, v4, vm0, $0xb8;
	[tilespmem:$0x10080] =	vst v63  }
0xc5: {  	v3 =	vadd.s32 v1, v3;
	s4 =	simm.s32 $0xD080  }
0xc6: {  	[hbm4b:s6+s2] =	stream.indirect_vreg.scatter [tilespmem:s4], [sflag:$0x1], $0x80, v4, vm0, $0xb8;
	[tilespmem:$0x10080] =	vst v63  }
0xc7: {  	s20 =	simm.s32 $0xD880  }
0xc8: {  	[hbm4b:s7+s2] =	stream.indirect_vreg.scatter [tilespmem:s20], [sflag:$0x1], $0x80, v4, vm0, $0xb8;
	[tilespmem:$0x10080] =	vst v63  }
0xc9: {  	s4 =	simm.s32 $0xE080  }
0xca: {  	[hbm4b:s3+s2] =	stream.indirect_vreg.scatter [tilespmem:s4], [sflag:$0x1], $0x80, v3, vm0, $0xb8;
	[tilespmem:$0x10080] =	vst v63  }
0xcb: {  	s20 =	simm.s32 $0xE880  }
0xcc: {  	[hbm4b:s5+s2] =	stream.indirect_vreg.scatter [tilespmem:s20], [sflag:$0x1], $0x80, v3, vm0, $0xb8;
	[tilespmem:$0x10080] =	vst v63  }
0xcd: {  	p0 =	sne.s32 s8, $0x1;
	s4 =	simm.s32 $0xF080  }
0xce: {  	[hbm4b:s6+s2] =	stream.indirect_vreg.scatter [tilespmem:s4], [sflag:$0x1], $0x80, v3, vm0, $0xb8;
	[tilespmem:$0x10080] =	vst v63  }
.Ltmp0:
0xcf: {  	s20 =	simm.s32 $0xF880;
	(pc) =	sbr.rel @p0 .LBB2_1-.Ltmp0, $4  }
0xd0: {  	[hbm4b:s7+s2] =	stream.indirect_vreg.scatter [tilespmem:s20], [sflag:$0x1], $0x80, v3, vm0, $0xb8;
	[tilespmem:$0x10080] =	vst v63  }
0xd1: {  	_ =	swait.ge [sflag:s19], $0x10000  }
0xd2: {  	[sflag:s19] =	ssyncset.done $0x0  }
0xd3: {  	s8 =	sadd.s32 $0xFFFFFFFF, s8;
	[sflag:s19] =	ssyncadd.s32 $0xFFFF0000  }
0xd4: {  	_ =	sfence.sel $0x180000  }
0xd5: {  	[bflag:$0x0] =	sbarrier.arrive $0xFFFF  }
0xd6: {  	_ =	strace $0x90000047  }
0xd7: {  	s0 =	stileid.u32;
	[bflag:$0x2] =	sbarrier.arrive $0xFFFF  }
0xd8: {  	p0 =	sne.s32 s0, $0x0;
	s0 =	rddreg [dreg:$0x2]  }
0xd9: {  	s0 =	sadd.s32 @!p0 $0x100000, s0  }
0xda: {  	[sflag:s0] =	ssyncadd.tile.s32 @!p0 $0x1;
	_ =	shalt  }
.Lfunc_end2:
_tile_overlayer_lowered:
.L_overlay_start_2:
0xdb: {  	(tag) =	ssettag $0x2  }
0xdc: {  	s0 =	rddreg [dreg:$0x0];
	s2 =	stileid.u32  }
0xdd: {  	s1 =	rddreg [dreg:$0x1];
	p0 =	sne.s32 s2, $0x0  }
0xde: {  	s3 =	rddreg [dreg:$0x2];
	[bflag:$0x3] =	sbarrier.arrive $0xFFFF;
	s2 =	simm.s32 @!p0 $0x1C02  }
0xdf: {  	[timem:s3], [sflag:s2] =	dma.local @!p0 [hbm:s0], s1  }
0xe0: {  	s0 =	simm.s32 @!p0 $0x2  }
0xe1: {  	_ =	swait.ge @!p0 [sflag:s0], s1  }
0xe2: {  	s1 =	ssub.s32 @!p0 $0x0, s1;
	[sflag:s0] =	ssyncset.done @!p0 $0x0  }
0xe3: {  	[sflag:s0] =	ssyncadd.s32 @!p0 s1  }
0xe4: {  	[bflag:$0x3] =	sbarrier.arrive $0xFFFF  }
0xe5: {  	_ =	shalt  }

</sc_bundles>
